<compile_context>
chip_gen: v7x
topology: tpu7x:2x2x1
jax: 0.10.2.dev20260603
libtpu: 0.0.44.dev20260713+nightly
codegen_flags: <defaults>
</compile_context>

<pallas_src>
import functools

import jax
import jax.numpy as jnp
from jax import lax
from jax.experimental import pallas as pl
from jax.experimental.pallas import tpu as pltpu
from jax.experimental.pallas import tpu_sc as plsc

NODES = 10000
IN_DIM = 128
HID_DIM = 256
OUT_DIM = 128
GRAPHS = 16

NC = 2
NS = 16
NW = NC * NS
CHUNK = 128
CH = 80
PH = 2
CHP = CH // PH
ACK = 64
NB = 4
APH = 4
ACH = (CH * CHUNK) // (APH * ACK)
EPAD = NW * CH * CHUNK
NPAD = NODES + 112
RPT = NPAD // NS
RB = 2000
GRID = NODES // RB


def _sc_mesh():
    return plsc.VectorSubcoreMesh(core_axis_name="c", subcore_axis_name="s")


def _deg_call(edges, ones128, zerosf):
    @functools.partial(
        pl.kernel,
        out_type=jax.ShapeDtypeStruct((NC, NPAD, IN_DIM), jnp.float32),
        mesh=_sc_mesh(),
        scratch_types=[
            pltpu.VMEM((ACH, ACK), jnp.int32),
            pltpu.VMEM((ACK, IN_DIM), jnp.float32),
            pltpu.VMEM_SHARED((NPAD, IN_DIM), jnp.float32),
        ],
    )
    def k(edges_hbm, ones_hbm, zeros_hbm, out_hbm, dst_v, ones_v, acc):
        cid = lax.axis_index("c")
        sid = lax.axis_index("s")
        wid = cid * NS + sid

        @pl.when(sid == 0)
        def _():
            pltpu.sync_copy(zeros_hbm, acc)

        pltpu.sync_copy(ones_hbm, ones_v)
        plsc.subcore_barrier()

        def body(p, c):
            pltpu.sync_copy(
                edges_hbm.at[1, pl.ds((wid * APH + p) * ACH, ACH)], dst_v)

            def inner(j, c2):
                pltpu.sync_copy(ones_v, acc.at[dst_v.at[j]], add=True)
                return c2

            return lax.fori_loop(0, ACH, inner, c)

        lax.fori_loop(0, APH, body, 0)
        plsc.subcore_barrier()
        pltpu.sync_copy(
            acc.at[pl.ds(sid * RPT, RPT)],
            out_hbm.at[cid, pl.ds(sid * RPT, RPT)],
        )

    return k(edges, ones128, zerosf)


def _agg_call(y, edges, zerosf):
    @functools.partial(
        pl.kernel,
        out_type=jax.ShapeDtypeStruct((NC, NPAD, IN_DIM), jnp.float32),
        mesh=_sc_mesh(),
        scratch_types=[
            pltpu.VMEM((ACH, ACK), jnp.int32),
            pltpu.VMEM((ACH, ACK), jnp.int32),
            [pltpu.VMEM((ACK, IN_DIM), jnp.float32)] * NB,
            [pltpu.SemaphoreType.DMA] * NB,
            pltpu.VMEM_SHARED((NPAD, IN_DIM), jnp.float32),
        ],
    )
    def k(y_hbm, edges_hbm, zeros_hbm, out_hbm,
          src_v, dst_v, rows, sems, acc):
        cid = lax.axis_index("c")
        sid = lax.axis_index("s")
        wid = cid * NS + sid

        @pl.when(sid == 0)
        def _():
            pltpu.sync_copy(zeros_hbm, acc)

        plsc.subcore_barrier()

        def phase(p, c):
            base = (wid * APH + p) * ACH
            pltpu.sync_copy(edges_hbm.at[0, pl.ds(base, ACH)], src_v)
            pltpu.sync_copy(edges_hbm.at[1, pl.ds(base, ACH)], dst_v)
            for b in range(NB - 1):
                pltpu.async_copy(y_hbm.at[src_v.at[b]], rows[b], sems[b])

            def body(t, c2):
                c3 = c2
                for b in range(NB):
                    j = NB * t + b
                    pltpu.make_async_copy(y_hbm.at[src_v.at[j]], rows[b], sems[b]).wait()
                    pltpu.sync_copy(rows[b], acc.at[dst_v.at[j]], add=True)
                    bn = (b + NB - 1) % NB

                    @pl.when(j + NB - 1 < ACH)
                    def _():
                        pltpu.async_copy(
                            y_hbm.at[src_v.at[j + NB - 1]], rows[bn], sems[bn])
                return c3

            return lax.fori_loop(0, ACH // NB, body, c)

        lax.fori_loop(0, APH, phase, 0)
        plsc.subcore_barrier()
        pltpu.sync_copy(
            acc.at[pl.ds(sid * RPT, RPT)],
            out_hbm.at[cid, pl.ds(sid * RPT, RPT)],
        )

    return k(y, edges, zerosf)


def _dinv_block(degp_block):
    deg = degp_block[0, :, :1] + degp_block[1, :, :1] + 1.0
    return lax.rsqrt(deg)


def _scale_call(x, degp):
    def body(x_ref, degp_ref, y_ref):
        dinv = _dinv_block(degp_ref[...])
        y_ref[...] = x_ref[...] * dinv

    return pl.pallas_call(
        body,
        grid=(GRID,),
        in_specs=[
            pl.BlockSpec((RB, IN_DIM), lambda i: (i, 0)),
            pl.BlockSpec((NC, RB, IN_DIM), lambda i: (0, i, 0)),
        ],
        out_specs=pl.BlockSpec((RB, IN_DIM), lambda i: (i, 0)),
        out_shape=jax.ShapeDtypeStruct((NODES, IN_DIM), jnp.float32),
    )(x, degp)


def _mid_call(p, y0, degp, W1, b1, W2):
    def body(p_ref, y0_ref, degp_ref, w1_ref, b1_ref, w2_ref, y1_ref):
        dinv = _dinv_block(degp_ref[...])
        pv = p_ref[...]
        t0 = dinv * (pv[0] + pv[1] + y0_ref[...])
        h = jnp.maximum(
            jnp.dot(t0, w1_ref[...], preferred_element_type=jnp.float32)
            + b1_ref[...],
            0.0,
        )
        z = jnp.dot(h, w2_ref[...], preferred_element_type=jnp.float32)
        y1_ref[...] = dinv * z

    return pl.pallas_call(
        body,
        grid=(GRID,),
        in_specs=[
            pl.BlockSpec((NC, RB, IN_DIM), lambda i: (0, i, 0)),
            pl.BlockSpec((RB, IN_DIM), lambda i: (i, 0)),
            pl.BlockSpec((NC, RB, IN_DIM), lambda i: (0, i, 0)),
            pl.BlockSpec((IN_DIM, HID_DIM), lambda i: (0, 0)),
            pl.BlockSpec((1, HID_DIM), lambda i: (0, 0)),
            pl.BlockSpec((HID_DIM, OUT_DIM), lambda i: (0, 0)),
        ],
        out_specs=pl.BlockSpec((RB, OUT_DIM), lambda i: (i, 0)),
        out_shape=jax.ShapeDtypeStruct((NODES, OUT_DIM), jnp.float32),
    )(p, y0, degp, W1, b1, W2)


def _final_call(q, y1, degp, b2, batch3):
    def body(q_ref, y1_ref, degp_ref, b2_ref, batch_ref, out_ref, sums, cnts):
        i = pl.program_id(0)

        @pl.when(i == 0)
        def _():
            sums[...] = jnp.zeros_like(sums)
            cnts[...] = jnp.zeros_like(cnts)

        dinv = _dinv_block(degp_ref[...])
        qv = q_ref[...]
        t1 = dinv * (qv[0] + qv[1] + y1_ref[...])
        h2 = jnp.maximum(t1 + b2_ref[...], 0.0)
        b = batch_ref[...].reshape(1, RB)
        iota = lax.broadcasted_iota(jnp.int32, (GRAPHS, RB), 0)
        onehot = (jnp.broadcast_to(b, (GRAPHS, RB)) == iota).astype(jnp.float32)
        sums[...] += jnp.dot(onehot, h2, preferred_element_type=jnp.float32)
        cnts[...] += jnp.broadcast_to(
            jnp.sum(onehot, axis=1, keepdims=True), (GRAPHS, OUT_DIM)
        )

        @pl.when(i == GRID - 1)
        def _():
            out_ref[...] = sums[...] / jnp.maximum(cnts[...], 1.0)

    return pl.pallas_call(
        body,
        grid=(GRID,),
        in_specs=[
            pl.BlockSpec((NC, RB, IN_DIM), lambda i: (0, i, 0)),
            pl.BlockSpec((RB, OUT_DIM), lambda i: (i, 0)),
            pl.BlockSpec((NC, RB, IN_DIM), lambda i: (0, i, 0)),
            pl.BlockSpec((1, OUT_DIM), lambda i: (0, 0)),
            pl.BlockSpec((1, 1, RB), lambda i: (i, 0, 0)),
        ],
        out_specs=pl.BlockSpec((GRAPHS, OUT_DIM), lambda i: (0, 0)),
        out_shape=jax.ShapeDtypeStruct((GRAPHS, OUT_DIM), jnp.float32),
        scratch_shapes=[
            pltpu.VMEM((GRAPHS, OUT_DIM), jnp.float32),
            pltpu.VMEM((GRAPHS, OUT_DIM), jnp.float32),
        ],
    )(q, y1, degp, b2, batch3)


def kernel(x, edge_index, batch, W1, b1, W2, b2):
    e = edge_index.shape[1]
    pads = jnp.stack([
        jnp.arange(EPAD - e, dtype=jnp.int32),
        jnp.full((EPAD - e,), NODES, jnp.int32),
    ])
    edges = jnp.concatenate([edge_index, pads], axis=1).reshape(2, EPAD // ACK, ACK)
    ones128 = jnp.ones((ACK, IN_DIM), jnp.float32)
    zerosf = jnp.zeros((NPAD, IN_DIM), jnp.float32)

    degp = _deg_call(edges, ones128, zerosf)
    y0 = _scale_call(x, degp)
    p = _agg_call(y0, edges, zerosf)
    y1 = _mid_call(p, y0, degp, W1, b1.reshape(1, HID_DIM), W2)
    q = _agg_call(y1, edges, zerosf)
    return _final_call(q, y1, degp, b2.reshape(1, OUT_DIM), batch.reshape(GRID, 1, RB))

# --- scband reference (transcript-rebuilt; emitter-appended) ---
"""Pipeline reference for scband-gnnapplication-14516989461160 (READ-ONLY COPY).

The authoritative reference and input builder live on the scoring server;
editing this copy changes nothing except your own understanding.
"""

import jax, jax.numpy as jnp
import numpy as np

N_NODES = 10000
N_EDGES = 320000
IN_DIM = 128
HID_DIM = 256
OUT_DIM = 128
NUM_GRAPHS = 16


def setup_inputs(seed: int = 0) -> dict:
    key = jax.random.key(seed)
    ks = jax.random.split(key, 8)
    x = jax.random.normal(ks[0], (N_NODES, IN_DIM), dtype=jnp.float32)
    edge_index = jax.random.randint(ks[1], (2, N_EDGES), 0, N_NODES, dtype=jnp.int32)
    batch = jnp.sort(jax.random.randint(ks[2], (N_NODES,), 0, NUM_GRAPHS, dtype=jnp.int32))
    W1 = jax.random.normal(ks[3], (IN_DIM, HID_DIM), dtype=jnp.float32) * (1.0 / np.sqrt(IN_DIM))
    b1 = jnp.zeros((HID_DIM,), dtype=jnp.float32)
    W2 = jax.random.normal(ks[4], (HID_DIM, OUT_DIM), dtype=jnp.float32) * (1.0 / np.sqrt(HID_DIM))
    b2 = jnp.zeros((OUT_DIM,), dtype=jnp.float32)
    return {"x": x, "edge_index": edge_index, "batch": batch, "W1": W1, "b1": b1, "W2": W2, "b2": b2}


def gcn_conv(x, edge_index, W, b):
    # GCNConv: x' = D^{-1/2} (A + I) D^{-1/2} X W + b (symmetric norm with self-loops)
    num_nodes = x.shape[0]
    src = edge_index[0]
    dst = edge_index[1]
    loop = jnp.arange(num_nodes, dtype=src.dtype)
    src = jnp.concatenate([src, loop])
    dst = jnp.concatenate([dst, loop])
    deg = jnp.zeros((num_nodes,), dtype=x.dtype).at[dst].add(1.0)
    dinv = jax.lax.rsqrt(jnp.maximum(deg, 1e-12))
    norm = dinv[src] * dinv[dst]
    xw = x @ W
    msg = xw[src] * norm[:, None]
    out = jnp.zeros((num_nodes, W.shape[1]), dtype=x.dtype).at[dst].add(msg)
    return out + b


def global_mean_pool(x, batch, num_graphs):
    s = jax.ops.segment_sum(x, batch, num_segments=num_graphs)
    cnt = jax.ops.segment_sum(jnp.ones((x.shape[0], 1), dtype=x.dtype), batch, num_segments=num_graphs)
    return s / jnp.maximum(cnt, 1.0)


def reference(x, edge_index, batch, W1, b1, W2, b2):
    h = jax.nn.relu(gcn_conv(x, edge_index, W1, b1))
    h = jax.nn.relu(gcn_conv(h, edge_index, W2, b2))
    return global_mean_pool(h, batch, NUM_GRAPHS)

if __name__ == "__main__":
    import jax
    _d = setup_inputs()
    print(jax.jit(kernel)(*tuple(_d.values())))

</pallas_src>

<mosaic_0001>
#map = affine_map<(d0, d1) -> (0, 0)>
#map1 = affine_map<(d0, d1) -> (0, 0, 0)>
module attributes {stable_mosaic.version = 14 : i64} {
  func.func @k(%arg0: i32, %arg1: i32, %arg2: memref<10000x128xf32, #tpu.memory_space<hbm>>, %arg3: memref<2x5120x64xi32, #tpu.memory_space<hbm>>, %arg4: memref<10112x128xf32, #tpu.memory_space<hbm>>, %arg5: memref<2x10112x128xf32, #tpu.memory_space<hbm>>, %arg6: memref<40x64xi32, #tpu.memory_space<vmem>>, %arg7: memref<40x64xi32, #tpu.memory_space<vmem>>, %arg8: memref<64x128xf32, #tpu.memory_space<vmem>>, %arg9: memref<64x128xf32, #tpu.memory_space<vmem>>, %arg10: memref<64x128xf32, #tpu.memory_space<vmem>>, %arg11: memref<64x128xf32, #tpu.memory_space<vmem>>, %arg12: memref<!tpu.dma_semaphore, #tpu.memory_space<semaphore_mem>>, %arg13: memref<!tpu.dma_semaphore, #tpu.memory_space<semaphore_mem>>, %arg14: memref<!tpu.dma_semaphore, #tpu.memory_space<semaphore_mem>>, %arg15: memref<!tpu.dma_semaphore, #tpu.memory_space<semaphore_mem>>, %arg16: memref<10112x128xf32, #tpu.memory_space<vmem_shared>>) attributes {dimension_semantics = [#tpu.dimension_semantics<core_parallel>, #tpu.dimension_semantics<subcore_parallel>], iteration_bounds = array<i64: 2, 16>, scalar_prefetch = 0 : i64, scratch_operands = 11 : i64, tpu.core_type = #tpu.core_type<sc_vector_subcore>, window_params = [{transform_indices = #map}, {transform_indices = #map1}, {transform_indices = #map}, {transform_indices = #map1}]} {
    %mul3A = arith.constant 16 : i32
    %mul3A_0 = arith.muli %arg0, %mul3A : i32
    %add3A = arith.addi %mul3A_0, %arg1 : i32
    %eq3A = arith.constant 0 : i32
    %eq3A_1 = arith.cmpi eq, %arg1, %eq3A : i32
    %convert_element_type3A = arith.extui %eq3A_1 : i1 to i32
    %cond3A = arith.constant 0 : i32
    %cond3A_2 = arith.cmpi ne, %convert_element_type3A, %cond3A : i32
    scf.if %cond3A_2 {
      "tpu.region"() ({
        %run_scoped3A = tpu.sem_alloc : memref<!tpu.dma_semaphore, #tpu.memory_space<semaphore_mem>>
        tpu.enqueue_dma source(%arg4 : memref<10112x128xf32, #tpu.memory_space<hbm>>) target(%arg16 : memref<10112x128xf32, #tpu.memory_space<vmem_shared>>) target_semaphore(%run_scoped3A : memref<!tpu.dma_semaphore, #tpu.memory_space<semaphore_mem>>)
        tpu.wait_dma2 semaphore(%run_scoped3A : memref<!tpu.dma_semaphore, #tpu.memory_space<semaphore_mem>>) src(%arg4 : memref<10112x128xf32, #tpu.memory_space<hbm>>) dst(%arg16 : memref<10112x128xf32, #tpu.memory_space<vmem_shared>>)
        tpu.yield
      }) : () -> ()
    } else {
    }
    %barrier3A = arith.constant 0 : index
    tpu.barrier barrier_id(%barrier3A)
    %scan3A = arith.constant 0 : i32
    %scan3A_3 = arith.constant 0 : i32
    %scan3A_4 = arith.constant 4 : i32
    %scan3A_5 = arith.addi %scan3A_3, %scan3A_4 : i32
    %scan3A_6 = arith.constant 1 : i32
    scf.for %scan3A_13 = %scan3A_3 to %scan3A_5 step %scan3A_6  : i32 {
      %mul3A_14 = arith.constant 4 : i32
      %mul3A_15 = arith.muli %add3A, %mul3A_14 : i32
      %add3A_16 = arith.addi %mul3A_15, %scan3A_13 : i32
      %mul3A_17 = arith.constant 40 : i32
      %mul3A_18 = arith.muli %add3A_16, %mul3A_17 : i32
      %run_scoped3A = arith.constant 0 : i32
      "tpu.region"() ({
        %run_scoped3A_45 = tpu.sem_alloc : memref<!tpu.dma_semaphore, #tpu.memory_space<semaphore_mem>>
        %dma_start3A_46 = arith.constant 0 : i32
        %dma_start3A_47 = tpu.memref_slice %arg3[%run_scoped3A, %mul3A_18, %dma_start3A_46] : memref<2x5120x64xi32, #tpu.memory_space<hbm>> -> memref<1x40x64xi32, #tpu.memory_space<hbm>>
        %dma_start3A_48 = tpu.memref_squeeze %dma_start3A_47 : memref<1x40x64xi32, #tpu.memory_space<hbm>> -> memref<40x64xi32, #tpu.memory_space<hbm>>
        %dma_start3A_49 = arith.constant 0 : i32
        %dma_start3A_50 = tpu.memref_slice %arg3[%run_scoped3A, %mul3A_18, %dma_start3A_49] : memref<2x5120x64xi32, #tpu.memory_space<hbm>> -> memref<1x40x64xi32, #tpu.memory_space<hbm>>
        %dma_start3A_51 = tpu.memref_squeeze %dma_start3A_50 : memref<1x40x64xi32, #tpu.memory_space<hbm>> -> memref<40x64xi32, #tpu.memory_space<hbm>>
        tpu.enqueue_dma source(%dma_start3A_51 : memref<40x64xi32, #tpu.memory_space<hbm>>) target(%arg6 : memref<40x64xi32, #tpu.memory_space<vmem>>) target_semaphore(%run_scoped3A_45 : memref<!tpu.dma_semaphore, #tpu.memory_space<semaphore_mem>>)
        %dma_wait3A = arith.constant 0 : i32
        %dma_wait3A_52 = tpu.memref_slice %arg3[%run_scoped3A, %mul3A_18, %dma_wait3A] : memref<2x5120x64xi32, #tpu.memory_space<hbm>> -> memref<1x40x64xi32, #tpu.memory_space<hbm>>
        %dma_wait3A_53 = tpu.memref_squeeze %dma_wait3A_52 : memref<1x40x64xi32, #tpu.memory_space<hbm>> -> memref<40x64xi32, #tpu.memory_space<hbm>>
        %dma_wait3A_54 = arith.constant 0 : i32
        %dma_wait3A_55 = tpu.memref_slice %arg3[%run_scoped3A, %mul3A_18, %dma_wait3A_54] : memref<2x5120x64xi32, #tpu.memory_space<hbm>> -> memref<1x40x64xi32, #tpu.memory_space<hbm>>
        %dma_wait3A_56 = tpu.memref_squeeze %dma_wait3A_55 : memref<1x40x64xi32, #tpu.memory_space<hbm>> -> memref<40x64xi32, #tpu.memory_space<hbm>>
        tpu.wait_dma2 semaphore(%run_scoped3A_45 : memref<!tpu.dma_semaphore, #tpu.memory_space<semaphore_mem>>) src(%dma_wait3A_56 : memref<40x64xi32, #tpu.memory_space<hbm>>) dst(%arg6 : memref<40x64xi32, #tpu.memory_space<vmem>>)
        tpu.yield
      }) : () -> ()
      %run_scoped3A_19 = arith.constant 1 : i32
      "tpu.region"() ({
        %run_scoped3A_45 = tpu.sem_alloc : memref<!tpu.dma_semaphore, #tpu.memory_space<semaphore_mem>>
        %dma_start3A_46 = arith.constant 0 : i32
        %dma_start3A_47 = tpu.memref_slice %arg3[%run_scoped3A_19, %mul3A_18, %dma_start3A_46] : memref<2x5120x64xi32, #tpu.memory_space<hbm>> -> memref<1x40x64xi32, #tpu.memory_space<hbm>>
        %dma_start3A_48 = tpu.memref_squeeze %dma_start3A_47 : memref<1x40x64xi32, #tpu.memory_space<hbm>> -> memref<40x64xi32, #tpu.memory_space<hbm>>
        %dma_start3A_49 = arith.constant 0 : i32
        %dma_start3A_50 = tpu.memref_slice %arg3[%run_scoped3A_19, %mul3A_18, %dma_start3A_49] : memref<2x5120x64xi32, #tpu.memory_space<hbm>> -> memref<1x40x64xi32, #tpu.memory_space<hbm>>
        %dma_start3A_51 = tpu.memref_squeeze %dma_start3A_50 : memref<1x40x64xi32, #tpu.memory_space<hbm>> -> memref<40x64xi32, #tpu.memory_space<hbm>>
        tpu.enqueue_dma source(%dma_start3A_51 : memref<40x64xi32, #tpu.memory_space<hbm>>) target(%arg7 : memref<40x64xi32, #tpu.memory_space<vmem>>) target_semaphore(%run_scoped3A_45 : memref<!tpu.dma_semaphore, #tpu.memory_space<semaphore_mem>>)
        %dma_wait3A = arith.constant 0 : i32
        %dma_wait3A_52 = tpu.memref_slice %arg3[%run_scoped3A_19, %mul3A_18, %dma_wait3A] : memref<2x5120x64xi32, #tpu.memory_space<hbm>> -> memref<1x40x64xi32, #tpu.memory_space<hbm>>
        %dma_wait3A_53 = tpu.memref_squeeze %dma_wait3A_52 : memref<1x40x64xi32, #tpu.memory_space<hbm>> -> memref<40x64xi32, #tpu.memory_space<hbm>>
        %dma_wait3A_54 = arith.constant 0 : i32
        %dma_wait3A_55 = tpu.memref_slice %arg3[%run_scoped3A_19, %mul3A_18, %dma_wait3A_54] : memref<2x5120x64xi32, #tpu.memory_space<hbm>> -> memref<1x40x64xi32, #tpu.memory_space<hbm>>
        %dma_wait3A_56 = tpu.memref_squeeze %dma_wait3A_55 : memref<1x40x64xi32, #tpu.memory_space<hbm>> -> memref<40x64xi32, #tpu.memory_space<hbm>>
        tpu.wait_dma2 semaphore(%run_scoped3A_45 : memref<!tpu.dma_semaphore, #tpu.memory_space<semaphore_mem>>) src(%dma_wait3A_56 : memref<40x64xi32, #tpu.memory_space<hbm>>) dst(%arg7 : memref<40x64xi32, #tpu.memory_space<vmem>>)
        tpu.yield
      }) : () -> ()
      %dma_start3A = arith.constant 0 : i32
      %dma_start3A_20 = arith.constant 0 : i32
      %dma_start3A_21 = tpu.memref_slice %arg6[%dma_start3A, %dma_start3A_20] : memref<40x64xi32, #tpu.memory_space<vmem>> -> memref<1x64xi32, #tpu.memory_space<vmem>>
      %dma_start3A_22 = tpu.memref_squeeze %dma_start3A_21 : memref<1x64xi32, #tpu.memory_space<vmem>> -> memref<64xi32, #tpu.memory_space<vmem>>
      %dma_start3A_23 = arith.constant 0 : i32
      %dma_start3A_24 = arith.constant 0 : i32
      %dma_start3A_25 = tpu.memref_slice %arg2[%dma_start3A_23, %dma_start3A_24] : memref<10000x128xf32, #tpu.memory_space<hbm>> -> memref<10000x128xf32, #tpu.memory_space<hbm>>
      tpu.enqueue_indirect_dma source(%dma_start3A_25 : memref<10000x128xf32, #tpu.memory_space<hbm>>) target(%arg8 : memref<64x128xf32, #tpu.memory_space<vmem>>) offsets(%dma_start3A_22 : memref<64xi32, #tpu.memory_space<vmem>>) semaphore(%arg12 : memref<!tpu.dma_semaphore, #tpu.memory_space<semaphore_mem>>)
      %dma_start3A_26 = arith.constant 1 : i32
      %dma_start3A_27 = arith.constant 0 : i32
      %dma_start3A_28 = tpu.memref_slice %arg6[%dma_start3A_26, %dma_start3A_27] : memref<40x64xi32, #tpu.memory_space<vmem>> -> memref<1x64xi32, #tpu.memory_space<vmem>>
      %dma_start3A_29 = tpu.memref_squeeze %dma_start3A_28 : memref<1x64xi32, #tpu.memory_space<vmem>> -> memref<64xi32, #tpu.memory_space<vmem>>
      %dma_start3A_30 = arith.constant 0 : i32
      %dma_start3A_31 = arith.constant 0 : i32
      %dma_start3A_32 = tpu.memref_slice %arg2[%dma_start3A_30, %dma_start3A_31] : memref<10000x128xf32, #tpu.memory_space<hbm>> -> memref<10000x128xf32, #tpu.memory_space<hbm>>
      tpu.enqueue_indirect_dma source(%dma_start3A_32 : memref<10000x128xf32, #tpu.memory_space<hbm>>) target(%arg9 : memref<64x128xf32, #tpu.memory_space<vmem>>) offsets(%dma_start3A_29 : memref<64xi32, #tpu.memory_space<vmem>>) semaphore(%arg13 : memref<!tpu.dma_semaphore, #tpu.memory_space<semaphore_mem>>)
      %dma_start3A_33 = arith.constant 2 : i32
      %dma_start3A_34 = arith.constant 0 : i32
      %dma_start3A_35 = tpu.memref_slice %arg6[%dma_start3A_33, %dma_start3A_34] : memref<40x64xi32, #tpu.memory_space<vmem>> -> memref<1x64xi32, #tpu.memory_space<vmem>>
      %dma_start3A_36 = tpu.memref_squeeze %dma_start3A_35 : memref<1x64xi32, #tpu.memory_space<vmem>> -> memref<64xi32, #tpu.memory_space<vmem>>
      %dma_start3A_37 = arith.constant 0 : i32
      %dma_start3A_38 = arith.constant 0 : i32
      %dma_start3A_39 = tpu.memref_slice %arg2[%dma_start3A_37, %dma_start3A_38] : memref<10000x128xf32, #tpu.memory_space<hbm>> -> memref<10000x128xf32, #tpu.memory_space<hbm>>
      tpu.enqueue_indirect_dma source(%dma_start3A_39 : memref<10000x128xf32, #tpu.memory_space<hbm>>) target(%arg10 : memref<64x128xf32, #tpu.memory_space<vmem>>) offsets(%dma_start3A_36 : memref<64xi32, #tpu.memory_space<vmem>>) semaphore(%arg14 : memref<!tpu.dma_semaphore, #tpu.memory_space<semaphore_mem>>)
      %scan3A_40 = arith.constant 0 : i32
      %scan3A_41 = arith.constant 10 : i32
      %scan3A_42 = arith.addi %scan3A_40, %scan3A_41 : i32
      %scan3A_43 = arith.constant 1 : i32
      scf.for %scan3A_45 = %scan3A_40 to %scan3A_42 step %scan3A_43  : i32 {
        %mul3A_46 = arith.constant 4 : i32
        %mul3A_47 = arith.muli %mul3A_46, %scan3A_45 : i32
        %add3A_48 = arith.constant 0 : i32
        %add3A_49 = arith.addi %mul3A_47, %add3A_48 : i32
        %dma_wait3A = arith.constant 0 : i32
        %dma_wait3A_50 = tpu.memref_slice %arg6[%add3A_49, %dma_wait3A] : memref<40x64xi32, #tpu.memory_space<vmem>> -> memref<1x64xi32, #tpu.memory_space<vmem>>
        %dma_wait3A_51 = tpu.memref_squeeze %dma_wait3A_50 : memref<1x64xi32, #tpu.memory_space<vmem>> -> memref<64xi32, #tpu.memory_space<vmem>>
        %dma_wait3A_52 = arith.constant 0 : i32
        %dma_wait3A_53 = arith.constant 0 : i32
        %dma_wait3A_54 = tpu.memref_slice %arg2[%dma_wait3A_52, %dma_wait3A_53] : memref<10000x128xf32, #tpu.memory_space<hbm>> -> memref<10000x128xf32, #tpu.memory_space<hbm>>
        tpu.wait_indirect_dma semaphore(%arg12 : memref<!tpu.dma_semaphore, #tpu.memory_space<semaphore_mem>>) src(%dma_wait3A_54 : memref<10000x128xf32, #tpu.memory_space<hbm>>) dst(%arg8 : memref<64x128xf32, #tpu.memory_space<vmem>>)
        "tpu.region"() ({
          %run_scoped3A_119 = tpu.sem_alloc : memref<!tpu.dma_semaphore, #tpu.memory_space<semaphore_mem>>
          %dma_start3A_120 = arith.constant 0 : i32
          %dma_start3A_121 = tpu.memref_slice %arg7[%add3A_49, %dma_start3A_120] : memref<40x64xi32, #tpu.memory_space<vmem>> -> memref<1x64xi32, #tpu.memory_space<vmem>>
          %dma_start3A_122 = tpu.memref_squeeze %dma_start3A_121 : memref<1x64xi32, #tpu.memory_space<vmem>> -> memref<64xi32, #tpu.memory_space<vmem>>
          %dma_start3A_123 = arith.constant 0 : i32
          %dma_start3A_124 = arith.constant 0 : i32
          %dma_start3A_125 = tpu.memref_slice %arg16[%dma_start3A_123, %dma_start3A_124] : memref<10112x128xf32, #tpu.memory_space<vmem_shared>> -> memref<10112x128xf32, #tpu.memory_space<vmem_shared>>
          tpu.enqueue_indirect_dma source(%arg8 : memref<64x128xf32, #tpu.memory_space<vmem>>) target(%dma_start3A_125 : memref<10112x128xf32, #tpu.memory_space<vmem_shared>>) offsets(%dma_start3A_122 : memref<64xi32, #tpu.memory_space<vmem>>) semaphore(%run_scoped3A_119 : memref<!tpu.dma_semaphore, #tpu.memory_space<semaphore_mem>>) {add = true}
          %dma_wait3A_126 = arith.constant 0 : i32
          %dma_wait3A_127 = tpu.memref_slice %arg7[%add3A_49, %dma_wait3A_126] : memref<40x64xi32, #tpu.memory_space<vmem>> -> memref<1x64xi32, #tpu.memory_space<vmem>>
          %dma_wait3A_128 = tpu.memref_squeeze %dma_wait3A_127 : memref<1x64xi32, #tpu.memory_space<vmem>> -> memref<64xi32, #tpu.memory_space<vmem>>
          %dma_wait3A_129 = arith.constant 0 : i32
          %dma_wait3A_130 = arith.constant 0 : i32
          %dma_wait3A_131 = tpu.memref_slice %arg16[%dma_wait3A_129, %dma_wait3A_130] : memref<10112x128xf32, #tpu.memory_space<vmem_shared>> -> memref<10112x128xf32, #tpu.memory_space<vmem_shared>>
          tpu.wait_indirect_dma semaphore(%run_scoped3A_119 : memref<!tpu.dma_semaphore, #tpu.memory_space<semaphore_mem>>) src(%arg8 : memref<64x128xf32, #tpu.memory_space<vmem>>) dst(%dma_wait3A_131 : memref<10112x128xf32, #tpu.memory_space<vmem_shared>>)
          tpu.yield
        }) : () -> ()
        %add3A_55 = arith.constant 4 : i32
        %add3A_56 = arith.addi %add3A_49, %add3A_55 : i32
        %sub3A = arith.constant 1 : i32
        %sub3A_57 = arith.subi %add3A_56, %sub3A : i32
        %lt3A = arith.constant 40 : i32
        %lt3A_58 = arith.cmpi slt, %sub3A_57, %lt3A : i32
        %convert_element_type3A_59 = arith.extui %lt3A_58 : i1 to i32
        %cond3A_60 = arith.constant 0 : i32
        %cond3A_61 = arith.cmpi ne, %convert_element_type3A_59, %cond3A_60 : i32
        scf.if %cond3A_61 {
          %add3A_119 = arith.constant 4 : i32
          %add3A_120 = arith.addi %add3A_49, %add3A_119 : i32
          %sub3A_121 = arith.constant 1 : i32
          %sub3A_122 = arith.subi %add3A_120, %sub3A_121 : i32
          %dma_start3A_123 = arith.constant 0 : i32
          %dma_start3A_124 = tpu.memref_slice %arg6[%sub3A_122, %dma_start3A_123] : memref<40x64xi32, #tpu.memory_space<vmem>> -> memref<1x64xi32, #tpu.memory_space<vmem>>
          %dma_start3A_125 = tpu.memref_squeeze %dma_start3A_124 : memref<1x64xi32, #tpu.memory_space<vmem>> -> memref<64xi32, #tpu.memory_space<vmem>>
          %dma_start3A_126 = arith.constant 0 : i32
          %dma_start3A_127 = arith.constant 0 : i32
          %dma_start3A_128 = tpu.memref_slice %arg2[%dma_start3A_126, %dma_start3A_127] : memref<10000x128xf32, #tpu.memory_space<hbm>> -> memref<10000x128xf32, #tpu.memory_space<hbm>>
          tpu.enqueue_indirect_dma source(%dma_start3A_128 : memref<10000x128xf32, #tpu.memory_space<hbm>>) target(%arg11 : memref<64x128xf32, #tpu.memory_space<vmem>>) offsets(%dma_start3A_125 : memref<64xi32, #tpu.memory_space<vmem>>) semaphore(%arg15 : memref<!tpu.dma_semaphore, #tpu.memory_space<semaphore_mem>>)
        } else {
        }
        %mul3A_62 = arith.constant 4 : i32
        %mul3A_63 = arith.muli %mul3A_62, %scan3A_45 : i32
        %add3A_64 = arith.constant 1 : i32
        %add3A_65 = arith.addi %mul3A_63, %add3A_64 : i32
        %dma_wait3A_66 = arith.constant 0 : i32
        %dma_wait3A_67 = tpu.memref_slice %arg6[%add3A_65, %dma_wait3A_66] : memref<40x64xi32, #tpu.memory_space<vmem>> -> memref<1x64xi32, #tpu.memory_space<vmem>>
        %dma_wait3A_68 = tpu.memref_squeeze %dma_wait3A_67 : memref<1x64xi32, #tpu.memory_space<vmem>> -> memref<64xi32, #tpu.memory_space<vmem>>
        %dma_wait3A_69 = arith.constant 0 : i32
        %dma_wait3A_70 = arith.constant 0 : i32
        %dma_wait3A_71 = tpu.memref_slice %arg2[%dma_wait3A_69, %dma_wait3A_70] : memref<10000x128xf32, #tpu.memory_space<hbm>> -> memref<10000x128xf32, #tpu.memory_space<hbm>>
        tpu.wait_indirect_dma semaphore(%arg13 : memref<!tpu.dma_semaphore, #tpu.memory_space<semaphore_mem>>) src(%dma_wait3A_71 : memref<10000x128xf32, #tpu.memory_space<hbm>>) dst(%arg9 : memref<64x128xf32, #tpu.memory_space<vmem>>)
        "tpu.region"() ({
          %run_scoped3A_119 = tpu.sem_alloc : memref<!tpu.dma_semaphore, #tpu.memory_space<semaphore_mem>>
          %dma_start3A_120 = arith.constant 0 : i32
          %dma_start3A_121 = tpu.memref_slice %arg7[%add3A_65, %dma_start3A_120] : memref<40x64xi32, #tpu.memory_space<vmem>> -> memref<1x64xi32, #tpu.memory_space<vmem>>
          %dma_start3A_122 = tpu.memref_squeeze %dma_start3A_121 : memref<1x64xi32, #tpu.memory_space<vmem>> -> memref<64xi32, #tpu.memory_space<vmem>>
          %dma_start3A_123 = arith.constant 0 : i32
          %dma_start3A_124 = arith.constant 0 : i32
          %dma_start3A_125 = tpu.memref_slice %arg16[%dma_start3A_123, %dma_start3A_124] : memref<10112x128xf32, #tpu.memory_space<vmem_shared>> -> memref<10112x128xf32, #tpu.memory_space<vmem_shared>>
          tpu.enqueue_indirect_dma source(%arg9 : memref<64x128xf32, #tpu.memory_space<vmem>>) target(%dma_start3A_125 : memref<10112x128xf32, #tpu.memory_space<vmem_shared>>) offsets(%dma_start3A_122 : memref<64xi32, #tpu.memory_space<vmem>>) semaphore(%run_scoped3A_119 : memref<!tpu.dma_semaphore, #tpu.memory_space<semaphore_mem>>) {add = true}
          %dma_wait3A_126 = arith.constant 0 : i32
          %dma_wait3A_127 = tpu.memref_slice %arg7[%add3A_65, %dma_wait3A_126] : memref<40x64xi32, #tpu.memory_space<vmem>> -> memref<1x64xi32, #tpu.memory_space<vmem>>
          %dma_wait3A_128 = tpu.memref_squeeze %dma_wait3A_127 : memref<1x64xi32, #tpu.memory_space<vmem>> -> memref<64xi32, #tpu.memory_space<vmem>>
          %dma_wait3A_129 = arith.constant 0 : i32
          %dma_wait3A_130 = arith.constant 0 : i32
          %dma_wait3A_131 = tpu.memref_slice %arg16[%dma_wait3A_129, %dma_wait3A_130] : memref<10112x128xf32, #tpu.memory_space<vmem_shared>> -> memref<10112x128xf32, #tpu.memory_space<vmem_shared>>
          tpu.wait_indirect_dma semaphore(%run_scoped3A_119 : memref<!tpu.dma_semaphore, #tpu.memory_space<semaphore_mem>>) src(%arg9 : memref<64x128xf32, #tpu.memory_space<vmem>>) dst(%dma_wait3A_131 : memref<10112x128xf32, #tpu.memory_space<vmem_shared>>)
          tpu.yield
        }) : () -> ()
        %add3A_72 = arith.constant 4 : i32
        %add3A_73 = arith.addi %add3A_65, %add3A_72 : i32
        %sub3A_74 = arith.constant 1 : i32
        %sub3A_75 = arith.subi %add3A_73, %sub3A_74 : i32
        %lt3A_76 = arith.constant 40 : i32
        %lt3A_77 = arith.cmpi slt, %sub3A_75, %lt3A_76 : i32
        %convert_element_type3A_78 = arith.extui %lt3A_77 : i1 to i32
        %cond3A_79 = arith.constant 0 : i32
        %cond3A_80 = arith.cmpi ne, %convert_element_type3A_78, %cond3A_79 : i32
        scf.if %cond3A_80 {
          %add3A_119 = arith.constant 4 : i32
          %add3A_120 = arith.addi %add3A_65, %add3A_119 : i32
          %sub3A_121 = arith.constant 1 : i32
          %sub3A_122 = arith.subi %add3A_120, %sub3A_121 : i32
          %dma_start3A_123 = arith.constant 0 : i32
          %dma_start3A_124 = tpu.memref_slice %arg6[%sub3A_122, %dma_start3A_123] : memref<40x64xi32, #tpu.memory_space<vmem>> -> memref<1x64xi32, #tpu.memory_space<vmem>>
          %dma_start3A_125 = tpu.memref_squeeze %dma_start3A_124 : memref<1x64xi32, #tpu.memory_space<vmem>> -> memref<64xi32, #tpu.memory_space<vmem>>
          %dma_start3A_126 = arith.constant 0 : i32
          %dma_start3A_127 = arith.constant 0 : i32
          %dma_start3A_128 = tpu.memref_slice %arg2[%dma_start3A_126, %dma_start3A_127] : memref<10000x128xf32, #tpu.memory_space<hbm>> -> memref<10000x128xf32, #tpu.memory_space<hbm>>
          tpu.enqueue_indirect_dma source(%dma_start3A_128 : memref<10000x128xf32, #tpu.memory_space<hbm>>) target(%arg8 : memref<64x128xf32, #tpu.memory_space<vmem>>) offsets(%dma_start3A_125 : memref<64xi32, #tpu.memory_space<vmem>>) semaphore(%arg12 : memref<!tpu.dma_semaphore, #tpu.memory_space<semaphore_mem>>)
        } else {
        }
        %mul3A_81 = arith.constant 4 : i32
        %mul3A_82 = arith.muli %mul3A_81, %scan3A_45 : i32
        %add3A_83 = arith.constant 2 : i32
        %add3A_84 = arith.addi %mul3A_82, %add3A_83 : i32
        %dma_wait3A_85 = arith.constant 0 : i32
        %dma_wait3A_86 = tpu.memref_slice %arg6[%add3A_84, %dma_wait3A_85] : memref<40x64xi32, #tpu.memory_space<vmem>> -> memref<1x64xi32, #tpu.memory_space<vmem>>
        %dma_wait3A_87 = tpu.memref_squeeze %dma_wait3A_86 : memref<1x64xi32, #tpu.memory_space<vmem>> -> memref<64xi32, #tpu.memory_space<vmem>>
        %dma_wait3A_88 = arith.constant 0 : i32
        %dma_wait3A_89 = arith.constant 0 : i32
        %dma_wait3A_90 = tpu.memref_slice %arg2[%dma_wait3A_88, %dma_wait3A_89] : memref<10000x128xf32, #tpu.memory_space<hbm>> -> memref<10000x128xf32, #tpu.memory_space<hbm>>
        tpu.wait_indirect_dma semaphore(%arg14 : memref<!tpu.dma_semaphore, #tpu.memory_space<semaphore_mem>>) src(%dma_wait3A_90 : memref<10000x128xf32, #tpu.memory_space<hbm>>) dst(%arg10 : memref<64x128xf32, #tpu.memory_space<vmem>>)
        "tpu.region"() ({
          %run_scoped3A_119 = tpu.sem_alloc : memref<!tpu.dma_semaphore, #tpu.memory_space<semaphore_mem>>
          %dma_start3A_120 = arith.constant 0 : i32
          %dma_start3A_121 = tpu.memref_slice %arg7[%add3A_84, %dma_start3A_120] : memref<40x64xi32, #tpu.memory_space<vmem>> -> memref<1x64xi32, #tpu.memory_space<vmem>>
          %dma_start3A_122 = tpu.memref_squeeze %dma_start3A_121 : memref<1x64xi32, #tpu.memory_space<vmem>> -> memref<64xi32, #tpu.memory_space<vmem>>
          %dma_start3A_123 = arith.constant 0 : i32
          %dma_start3A_124 = arith.constant 0 : i32
          %dma_start3A_125 = tpu.memref_slice %arg16[%dma_start3A_123, %dma_start3A_124] : memref<10112x128xf32, #tpu.memory_space<vmem_shared>> -> memref<10112x128xf32, #tpu.memory_space<vmem_shared>>
          tpu.enqueue_indirect_dma source(%arg10 : memref<64x128xf32, #tpu.memory_space<vmem>>) target(%dma_start3A_125 : memref<10112x128xf32, #tpu.memory_space<vmem_shared>>) offsets(%dma_start3A_122 : memref<64xi32, #tpu.memory_space<vmem>>) semaphore(%run_scoped3A_119 : memref<!tpu.dma_semaphore, #tpu.memory_space<semaphore_mem>>) {add = true}
          %dma_wait3A_126 = arith.constant 0 : i32
          %dma_wait3A_127 = tpu.memref_slice %arg7[%add3A_84, %dma_wait3A_126] : memref<40x64xi32, #tpu.memory_space<vmem>> -> memref<1x64xi32, #tpu.memory_space<vmem>>
          %dma_wait3A_128 = tpu.memref_squeeze %dma_wait3A_127 : memref<1x64xi32, #tpu.memory_space<vmem>> -> memref<64xi32, #tpu.memory_space<vmem>>
          %dma_wait3A_129 = arith.constant 0 : i32
          %dma_wait3A_130 = arith.constant 0 : i32
          %dma_wait3A_131 = tpu.memref_slice %arg16[%dma_wait3A_129, %dma_wait3A_130] : memref<10112x128xf32, #tpu.memory_space<vmem_shared>> -> memref<10112x128xf32, #tpu.memory_space<vmem_shared>>
          tpu.wait_indirect_dma semaphore(%run_scoped3A_119 : memref<!tpu.dma_semaphore, #tpu.memory_space<semaphore_mem>>) src(%arg10 : memref<64x128xf32, #tpu.memory_space<vmem>>) dst(%dma_wait3A_131 : memref<10112x128xf32, #tpu.memory_space<vmem_shared>>)
          tpu.yield
        }) : () -> ()
        %add3A_91 = arith.constant 4 : i32
        %add3A_92 = arith.addi %add3A_84, %add3A_91 : i32
        %sub3A_93 = arith.constant 1 : i32
        %sub3A_94 = arith.subi %add3A_92, %sub3A_93 : i32
        %lt3A_95 = arith.constant 40 : i32
        %lt3A_96 = arith.cmpi slt, %sub3A_94, %lt3A_95 : i32
        %convert_element_type3A_97 = arith.extui %lt3A_96 : i1 to i32
        %cond3A_98 = arith.constant 0 : i32
        %cond3A_99 = arith.cmpi ne, %convert_element_type3A_97, %cond3A_98 : i32
        scf.if %cond3A_99 {
          %add3A_119 = arith.constant 4 : i32
          %add3A_120 = arith.addi %add3A_84, %add3A_119 : i32
          %sub3A_121 = arith.constant 1 : i32
          %sub3A_122 = arith.subi %add3A_120, %sub3A_121 : i32
          %dma_start3A_123 = arith.constant 0 : i32
          %dma_start3A_124 = tpu.memref_slice %arg6[%sub3A_122, %dma_start3A_123] : memref<40x64xi32, #tpu.memory_space<vmem>> -> memref<1x64xi32, #tpu.memory_space<vmem>>
          %dma_start3A_125 = tpu.memref_squeeze %dma_start3A_124 : memref<1x64xi32, #tpu.memory_space<vmem>> -> memref<64xi32, #tpu.memory_space<vmem>>
          %dma_start3A_126 = arith.constant 0 : i32
          %dma_start3A_127 = arith.constant 0 : i32
          %dma_start3A_128 = tpu.memref_slice %arg2[%dma_start3A_126, %dma_start3A_127] : memref<10000x128xf32, #tpu.memory_space<hbm>> -> memref<10000x128xf32, #tpu.memory_space<hbm>>
          tpu.enqueue_indirect_dma source(%dma_start3A_128 : memref<10000x128xf32, #tpu.memory_space<hbm>>) target(%arg9 : memref<64x128xf32, #tpu.memory_space<vmem>>) offsets(%dma_start3A_125 : memref<64xi32, #tpu.memory_space<vmem>>) semaphore(%arg13 : memref<!tpu.dma_semaphore, #tpu.memory_space<semaphore_mem>>)
        } else {
        }
        %mul3A_100 = arith.constant 4 : i32
        %mul3A_101 = arith.muli %mul3A_100, %scan3A_45 : i32
        %add3A_102 = arith.constant 3 : i32
        %add3A_103 = arith.addi %mul3A_101, %add3A_102 : i32
        %dma_wait3A_104 = arith.constant 0 : i32
        %dma_wait3A_105 = tpu.memref_slice %arg6[%add3A_103, %dma_wait3A_104] : memref<40x64xi32, #tpu.memory_space<vmem>> -> memref<1x64xi32, #tpu.memory_space<vmem>>
        %dma_wait3A_106 = tpu.memref_squeeze %dma_wait3A_105 : memref<1x64xi32, #tpu.memory_space<vmem>> -> memref<64xi32, #tpu.memory_space<vmem>>
        %dma_wait3A_107 = arith.constant 0 : i32
        %dma_wait3A_108 = arith.constant 0 : i32
        %dma_wait3A_109 = tpu.memref_slice %arg2[%dma_wait3A_107, %dma_wait3A_108] : memref<10000x128xf32, #tpu.memory_space<hbm>> -> memref<10000x128xf32, #tpu.memory_space<hbm>>
        tpu.wait_indirect_dma semaphore(%arg15 : memref<!tpu.dma_semaphore, #tpu.memory_space<semaphore_mem>>) src(%dma_wait3A_109 : memref<10000x128xf32, #tpu.memory_space<hbm>>) dst(%arg11 : memref<64x128xf32, #tpu.memory_space<vmem>>)
        "tpu.region"() ({
          %run_scoped3A_119 = tpu.sem_alloc : memref<!tpu.dma_semaphore, #tpu.memory_space<semaphore_mem>>
          %dma_start3A_120 = arith.constant 0 : i32
          %dma_start3A_121 = tpu.memref_slice %arg7[%add3A_103, %dma_start3A_120] : memref<40x64xi32, #tpu.memory_space<vmem>> -> memref<1x64xi32, #tpu.memory_space<vmem>>
          %dma_start3A_122 = tpu.memref_squeeze %dma_start3A_121 : memref<1x64xi32, #tpu.memory_space<vmem>> -> memref<64xi32, #tpu.memory_space<vmem>>
          %dma_start3A_123 = arith.constant 0 : i32
          %dma_start3A_124 = arith.constant 0 : i32
          %dma_start3A_125 = tpu.memref_slice %arg16[%dma_start3A_123, %dma_start3A_124] : memref<10112x128xf32, #tpu.memory_space<vmem_shared>> -> memref<10112x128xf32, #tpu.memory_space<vmem_shared>>
          tpu.enqueue_indirect_dma source(%arg11 : memref<64x128xf32, #tpu.memory_space<vmem>>) target(%dma_start3A_125 : memref<10112x128xf32, #tpu.memory_space<vmem_shared>>) offsets(%dma_start3A_122 : memref<64xi32, #tpu.memory_space<vmem>>) semaphore(%run_scoped3A_119 : memref<!tpu.dma_semaphore, #tpu.memory_space<semaphore_mem>>) {add = true}
          %dma_wait3A_126 = arith.constant 0 : i32
          %dma_wait3A_127 = tpu.memref_slice %arg7[%add3A_103, %dma_wait3A_126] : memref<40x64xi32, #tpu.memory_space<vmem>> -> memref<1x64xi32, #tpu.memory_space<vmem>>
          %dma_wait3A_128 = tpu.memref_squeeze %dma_wait3A_127 : memref<1x64xi32, #tpu.memory_space<vmem>> -> memref<64xi32, #tpu.memory_space<vmem>>
          %dma_wait3A_129 = arith.constant 0 : i32
          %dma_wait3A_130 = arith.constant 0 : i32
          %dma_wait3A_131 = tpu.memref_slice %arg16[%dma_wait3A_129, %dma_wait3A_130] : memref<10112x128xf32, #tpu.memory_space<vmem_shared>> -> memref<10112x128xf32, #tpu.memory_space<vmem_shared>>
          tpu.wait_indirect_dma semaphore(%run_scoped3A_119 : memref<!tpu.dma_semaphore, #tpu.memory_space<semaphore_mem>>) src(%arg11 : memref<64x128xf32, #tpu.memory_space<vmem>>) dst(%dma_wait3A_131 : memref<10112x128xf32, #tpu.memory_space<vmem_shared>>)
          tpu.yield
        }) : () -> ()
        %add3A_110 = arith.constant 4 : i32
        %add3A_111 = arith.addi %add3A_103, %add3A_110 : i32
        %sub3A_112 = arith.constant 1 : i32
        %sub3A_113 = arith.subi %add3A_111, %sub3A_112 : i32
        %lt3A_114 = arith.constant 40 : i32
        %lt3A_115 = arith.cmpi slt, %sub3A_113, %lt3A_114 : i32
        %convert_element_type3A_116 = arith.extui %lt3A_115 : i1 to i32
        %cond3A_117 = arith.constant 0 : i32
        %cond3A_118 = arith.cmpi ne, %convert_element_type3A_116, %cond3A_117 : i32
        scf.if %cond3A_118 {
          %add3A_119 = arith.constant 4 : i32
          %add3A_120 = arith.addi %add3A_103, %add3A_119 : i32
          %sub3A_121 = arith.constant 1 : i32
          %sub3A_122 = arith.subi %add3A_120, %sub3A_121 : i32
          %dma_start3A_123 = arith.constant 0 : i32
          %dma_start3A_124 = tpu.memref_slice %arg6[%sub3A_122, %dma_start3A_123] : memref<40x64xi32, #tpu.memory_space<vmem>> -> memref<1x64xi32, #tpu.memory_space<vmem>>
          %dma_start3A_125 = tpu.memref_squeeze %dma_start3A_124 : memref<1x64xi32, #tpu.memory_space<vmem>> -> memref<64xi32, #tpu.memory_space<vmem>>
          %dma_start3A_126 = arith.constant 0 : i32
          %dma_start3A_127 = arith.constant 0 : i32
          %dma_start3A_128 = tpu.memref_slice %arg2[%dma_start3A_126, %dma_start3A_127] : memref<10000x128xf32, #tpu.memory_space<hbm>> -> memref<10000x128xf32, #tpu.memory_space<hbm>>
          tpu.enqueue_indirect_dma source(%dma_start3A_128 : memref<10000x128xf32, #tpu.memory_space<hbm>>) target(%arg10 : memref<64x128xf32, #tpu.memory_space<vmem>>) offsets(%dma_start3A_125 : memref<64xi32, #tpu.memory_space<vmem>>) semaphore(%arg14 : memref<!tpu.dma_semaphore, #tpu.memory_space<semaphore_mem>>)
        } else {
        }
      }
      %scan3A_44 = arith.constant 10 : i32
    }
    %scan3A_7 = arith.constant 4 : i32
    %barrier3A_8 = arith.constant 0 : index
    tpu.barrier barrier_id(%barrier3A_8)
    %mul3A_9 = arith.constant 632 : i32
    %mul3A_10 = arith.muli %arg1, %mul3A_9 : i32
    %mul3A_11 = arith.constant 632 : i32
    %mul3A_12 = arith.muli %arg1, %mul3A_11 : i32
    "tpu.region"() ({
      %run_scoped3A = tpu.sem_alloc : memref<!tpu.dma_semaphore, #tpu.memory_space<semaphore_mem>>
      %dma_start3A = arith.constant 0 : i32
      %dma_start3A_13 = tpu.memref_slice %arg5[%arg0, %mul3A_12, %dma_start3A] : memref<2x10112x128xf32, #tpu.memory_space<hbm>> -> memref<1x632x128xf32, #tpu.memory_space<hbm>>
      %dma_start3A_14 = tpu.memref_squeeze %dma_start3A_13 : memref<1x632x128xf32, #tpu.memory_space<hbm>> -> memref<632x128xf32, #tpu.memory_space<hbm>>
      %dma_start3A_15 = arith.constant 0 : i32
      %dma_start3A_16 = tpu.memref_slice %arg16[%mul3A_10, %dma_start3A_15] : memref<10112x128xf32, #tpu.memory_space<vmem_shared>> -> memref<632x128xf32, #tpu.memory_space<vmem_shared>>
      tpu.enqueue_dma source(%dma_start3A_16 : memref<632x128xf32, #tpu.memory_space<vmem_shared>>) target(%dma_start3A_14 : memref<632x128xf32, #tpu.memory_space<hbm>>) target_semaphore(%run_scoped3A : memref<!tpu.dma_semaphore, #tpu.memory_space<semaphore_mem>>)
      %dma_wait3A = arith.constant 0 : i32
      %dma_wait3A_17 = tpu.memref_slice %arg5[%arg0, %mul3A_12, %dma_wait3A] : memref<2x10112x128xf32, #tpu.memory_space<hbm>> -> memref<1x632x128xf32, #tpu.memory_space<hbm>>
      %dma_wait3A_18 = tpu.memref_squeeze %dma_wait3A_17 : memref<1x632x128xf32, #tpu.memory_space<hbm>> -> memref<632x128xf32, #tpu.memory_space<hbm>>
      %dma_wait3A_19 = arith.constant 0 : i32
      %dma_wait3A_20 = tpu.memref_slice %arg16[%mul3A_10, %dma_wait3A_19] : memref<10112x128xf32, #tpu.memory_space<vmem_shared>> -> memref<632x128xf32, #tpu.memory_space<vmem_shared>>
      tpu.wait_dma2 semaphore(%run_scoped3A : memref<!tpu.dma_semaphore, #tpu.memory_space<semaphore_mem>>) src(%dma_wait3A_20 : memref<632x128xf32, #tpu.memory_space<vmem_shared>>) dst(%dma_wait3A_18 : memref<632x128xf32, #tpu.memory_space<hbm>>)
      tpu.yield
    }) : () -> ()
    return
  }
}

#map = affine_map<(d0, d1) -> (0, 0, 0)>
#map1 = affine_map<(d0, d1) -> (0, 0)>
module attributes {stable_mosaic.version = 14 : i64} {
  func.func @k(%arg0: i32, %arg1: i32, %arg2: memref<2x5120x64xi32, #tpu.memory_space<hbm>>, %arg3: memref<64x128xf32, #tpu.memory_space<hbm>>, %arg4: memref<10112x128xf32, #tpu.memory_space<hbm>>, %arg5: memref<2x10112x128xf32, #tpu.memory_space<hbm>>, %arg6: memref<40x64xi32, #tpu.memory_space<vmem>>, %arg7: memref<64x128xf32, #tpu.memory_space<vmem>>, %arg8: memref<10112x128xf32, #tpu.memory_space<vmem_shared>>) attributes {dimension_semantics = [#tpu.dimension_semantics<core_parallel>, #tpu.dimension_semantics<subcore_parallel>], iteration_bounds = array<i64: 2, 16>, scalar_prefetch = 0 : i64, scratch_operands = 3 : i64, tpu.core_type = #tpu.core_type<sc_vector_subcore>, window_params = [{transform_indices = #map}, {transform_indices = #map1}, {transform_indices = #map1}, {transform_indices = #map}]} {
    %mul3A = arith.constant 16 : i32
    %mul3A_0 = arith.muli %arg0, %mul3A : i32
    %add3A = arith.addi %mul3A_0, %arg1 : i32
    %eq3A = arith.constant 0 : i32
    %eq3A_1 = arith.cmpi eq, %arg1, %eq3A : i32
    %convert_element_type3A = arith.extui %eq3A_1 : i1 to i32
    %cond3A = arith.constant 0 : i32
    %cond3A_2 = arith.cmpi ne, %convert_element_type3A, %cond3A : i32
    scf.if %cond3A_2 {
      "tpu.region"() ({
        %run_scoped3A = tpu.sem_alloc : memref<!tpu.dma_semaphore, #tpu.memory_space<semaphore_mem>>
        tpu.enqueue_dma source(%arg4 : memref<10112x128xf32, #tpu.memory_space<hbm>>) target(%arg8 : memref<10112x128xf32, #tpu.memory_space<vmem_shared>>) target_semaphore(%run_scoped3A : memref<!tpu.dma_semaphore, #tpu.memory_space<semaphore_mem>>)
        tpu.wait_dma2 semaphore(%run_scoped3A : memref<!tpu.dma_semaphore, #tpu.memory_space<semaphore_mem>>) src(%arg4 : memref<10112x128xf32, #tpu.memory_space<hbm>>) dst(%arg8 : memref<10112x128xf32, #tpu.memory_space<vmem_shared>>)
        tpu.yield
      }) : () -> ()
    } else {
    }
    "tpu.region"() ({
      %run_scoped3A = tpu.sem_alloc : memref<!tpu.dma_semaphore, #tpu.memory_space<semaphore_mem>>
      tpu.enqueue_dma source(%arg3 : memref<64x128xf32, #tpu.memory_space<hbm>>) target(%arg7 : memref<64x128xf32, #tpu.memory_space<vmem>>) target_semaphore(%run_scoped3A : memref<!tpu.dma_semaphore, #tpu.memory_space<semaphore_mem>>)
      tpu.wait_dma2 semaphore(%run_scoped3A : memref<!tpu.dma_semaphore, #tpu.memory_space<semaphore_mem>>) src(%arg3 : memref<64x128xf32, #tpu.memory_space<hbm>>) dst(%arg7 : memref<64x128xf32, #tpu.memory_space<vmem>>)
      tpu.yield
    }) : () -> ()
    %barrier3A = arith.constant 0 : index
    tpu.barrier barrier_id(%barrier3A)
    %scan3A = arith.constant 0 : i32
    %scan3A_3 = arith.constant 0 : i32
    %scan3A_4 = arith.constant 4 : i32
    %scan3A_5 = arith.addi %scan3A_3, %scan3A_4 : i32
    %scan3A_6 = arith.constant 1 : i32
    scf.for %scan3A_13 = %scan3A_3 to %scan3A_5 step %scan3A_6  : i32 {
      %mul3A_14 = arith.constant 4 : i32
      %mul3A_15 = arith.muli %add3A, %mul3A_14 : i32
      %add3A_16 = arith.addi %mul3A_15, %scan3A_13 : i32
      %mul3A_17 = arith.constant 40 : i32
      %mul3A_18 = arith.muli %add3A_16, %mul3A_17 : i32
      %run_scoped3A = arith.constant 1 : i32
      "tpu.region"() ({
        %run_scoped3A_24 = tpu.sem_alloc : memref<!tpu.dma_semaphore, #tpu.memory_space<semaphore_mem>>
        %dma_start3A = arith.constant 0 : i32
        %dma_start3A_25 = tpu.memref_slice %arg2[%run_scoped3A, %mul3A_18, %dma_start3A] : memref<2x5120x64xi32, #tpu.memory_space<hbm>> -> memref<1x40x64xi32, #tpu.memory_space<hbm>>
        %dma_start3A_26 = tpu.memref_squeeze %dma_start3A_25 : memref<1x40x64xi32, #tpu.memory_space<hbm>> -> memref<40x64xi32, #tpu.memory_space<hbm>>
        %dma_start3A_27 = arith.constant 0 : i32
        %dma_start3A_28 = tpu.memref_slice %arg2[%run_scoped3A, %mul3A_18, %dma_start3A_27] : memref<2x5120x64xi32, #tpu.memory_space<hbm>> -> memref<1x40x64xi32, #tpu.memory_space<hbm>>
        %dma_start3A_29 = tpu.memref_squeeze %dma_start3A_28 : memref<1x40x64xi32, #tpu.memory_space<hbm>> -> memref<40x64xi32, #tpu.memory_space<hbm>>
        tpu.enqueue_dma source(%dma_start3A_29 : memref<40x64xi32, #tpu.memory_space<hbm>>) target(%arg6 : memref<40x64xi32, #tpu.memory_space<vmem>>) target_semaphore(%run_scoped3A_24 : memref<!tpu.dma_semaphore, #tpu.memory_space<semaphore_mem>>)
        %dma_wait3A = arith.constant 0 : i32
        %dma_wait3A_30 = tpu.memref_slice %arg2[%run_scoped3A, %mul3A_18, %dma_wait3A] : memref<2x5120x64xi32, #tpu.memory_space<hbm>> -> memref<1x40x64xi32, #tpu.memory_space<hbm>>
        %dma_wait3A_31 = tpu.memref_squeeze %dma_wait3A_30 : memref<1x40x64xi32, #tpu.memory_space<hbm>> -> memref<40x64xi32, #tpu.memory_space<hbm>>
        %dma_wait3A_32 = arith.constant 0 : i32
        %dma_wait3A_33 = tpu.memref_slice %arg2[%run_scoped3A, %mul3A_18, %dma_wait3A_32] : memref<2x5120x64xi32, #tpu.memory_space<hbm>> -> memref<1x40x64xi32, #tpu.memory_space<hbm>>
        %dma_wait3A_34 = tpu.memref_squeeze %dma_wait3A_33 : memref<1x40x64xi32, #tpu.memory_space<hbm>> -> memref<40x64xi32, #tpu.memory_space<hbm>>
        tpu.wait_dma2 semaphore(%run_scoped3A_24 : memref<!tpu.dma_semaphore, #tpu.memory_space<semaphore_mem>>) src(%dma_wait3A_34 : memref<40x64xi32, #tpu.memory_space<hbm>>) dst(%arg6 : memref<40x64xi32, #tpu.memory_space<vmem>>)
        tpu.yield
      }) : () -> ()
      %scan3A_19 = arith.constant 0 : i32
      %scan3A_20 = arith.constant 40 : i32
      %scan3A_21 = arith.addi %scan3A_19, %scan3A_20 : i32
      %scan3A_22 = arith.constant 1 : i32
      scf.for %scan3A_24 = %scan3A_19 to %scan3A_21 step %scan3A_22  : i32 {
        "tpu.region"() ({
          %run_scoped3A_25 = tpu.sem_alloc : memref<!tpu.dma_semaphore, #tpu.memory_space<semaphore_mem>>
          %dma_start3A = arith.constant 0 : i32
          %dma_start3A_26 = tpu.memref_slice %arg6[%scan3A_24, %dma_start3A] : memref<40x64xi32, #tpu.memory_space<vmem>> -> memref<1x64xi32, #tpu.memory_space<vmem>>
          %dma_start3A_27 = tpu.memref_squeeze %dma_start3A_26 : memref<1x64xi32, #tpu.memory_space<vmem>> -> memref<64xi32, #tpu.memory_space<vmem>>
          %dma_start3A_28 = arith.constant 0 : i32
          %dma_start3A_29 = arith.constant 0 : i32
          %dma_start3A_30 = tpu.memref_slice %arg8[%dma_start3A_28, %dma_start3A_29] : memref<10112x128xf32, #tpu.memory_space<vmem_shared>> -> memref<10112x128xf32, #tpu.memory_space<vmem_shared>>
          tpu.enqueue_indirect_dma source(%arg7 : memref<64x128xf32, #tpu.memory_space<vmem>>) target(%dma_start3A_30 : memref<10112x128xf32, #tpu.memory_space<vmem_shared>>) offsets(%dma_start3A_27 : memref<64xi32, #tpu.memory_space<vmem>>) semaphore(%run_scoped3A_25 : memref<!tpu.dma_semaphore, #tpu.memory_space<semaphore_mem>>) {add = true}
          %dma_wait3A = arith.constant 0 : i32
          %dma_wait3A_31 = tpu.memref_slice %arg6[%scan3A_24, %dma_wait3A] : memref<40x64xi32, #tpu.memory_space<vmem>> -> memref<1x64xi32, #tpu.memory_space<vmem>>
          %dma_wait3A_32 = tpu.memref_squeeze %dma_wait3A_31 : memref<1x64xi32, #tpu.memory_space<vmem>> -> memref<64xi32, #tpu.memory_space<vmem>>
          %dma_wait3A_33 = arith.constant 0 : i32
          %dma_wait3A_34 = arith.constant 0 : i32
          %dma_wait3A_35 = tpu.memref_slice %arg8[%dma_wait3A_33, %dma_wait3A_34] : memref<10112x128xf32, #tpu.memory_space<vmem_shared>> -> memref<10112x128xf32, #tpu.memory_space<vmem_shared>>
          tpu.wait_indirect_dma semaphore(%run_scoped3A_25 : memref<!tpu.dma_semaphore, #tpu.memory_space<semaphore_mem>>) src(%arg7 : memref<64x128xf32, #tpu.memory_space<vmem>>) dst(%dma_wait3A_35 : memref<10112x128xf32, #tpu.memory_space<vmem_shared>>)
          tpu.yield
        }) : () -> ()
      }
      %scan3A_23 = arith.constant 40 : i32
    }
    %scan3A_7 = arith.constant 4 : i32
    %barrier3A_8 = arith.constant 0 : index
    tpu.barrier barrier_id(%barrier3A_8)
    %mul3A_9 = arith.constant 632 : i32
    %mul3A_10 = arith.muli %arg1, %mul3A_9 : i32
    %mul3A_11 = arith.constant 632 : i32
    %mul3A_12 = arith.muli %arg1, %mul3A_11 : i32
    "tpu.region"() ({
      %run_scoped3A = tpu.sem_alloc : memref<!tpu.dma_semaphore, #tpu.memory_space<semaphore_mem>>
      %dma_start3A = arith.constant 0 : i32
      %dma_start3A_13 = tpu.memref_slice %arg5[%arg0, %mul3A_12, %dma_start3A] : memref<2x10112x128xf32, #tpu.memory_space<hbm>> -> memref<1x632x128xf32, #tpu.memory_space<hbm>>
      %dma_start3A_14 = tpu.memref_squeeze %dma_start3A_13 : memref<1x632x128xf32, #tpu.memory_space<hbm>> -> memref<632x128xf32, #tpu.memory_space<hbm>>
      %dma_start3A_15 = arith.constant 0 : i32
      %dma_start3A_16 = tpu.memref_slice %arg8[%mul3A_10, %dma_start3A_15] : memref<10112x128xf32, #tpu.memory_space<vmem_shared>> -> memref<632x128xf32, #tpu.memory_space<vmem_shared>>
      tpu.enqueue_dma source(%dma_start3A_16 : memref<632x128xf32, #tpu.memory_space<vmem_shared>>) target(%dma_start3A_14 : memref<632x128xf32, #tpu.memory_space<hbm>>) target_semaphore(%run_scoped3A : memref<!tpu.dma_semaphore, #tpu.memory_space<semaphore_mem>>)
      %dma_wait3A = arith.constant 0 : i32
      %dma_wait3A_17 = tpu.memref_slice %arg5[%arg0, %mul3A_12, %dma_wait3A] : memref<2x10112x128xf32, #tpu.memory_space<hbm>> -> memref<1x632x128xf32, #tpu.memory_space<hbm>>
      %dma_wait3A_18 = tpu.memref_squeeze %dma_wait3A_17 : memref<1x632x128xf32, #tpu.memory_space<hbm>> -> memref<632x128xf32, #tpu.memory_space<hbm>>
      %dma_wait3A_19 = arith.constant 0 : i32
      %dma_wait3A_20 = tpu.memref_slice %arg8[%mul3A_10, %dma_wait3A_19] : memref<10112x128xf32, #tpu.memory_space<vmem_shared>> -> memref<632x128xf32, #tpu.memory_space<vmem_shared>>
      tpu.wait_dma2 semaphore(%run_scoped3A : memref<!tpu.dma_semaphore, #tpu.memory_space<semaphore_mem>>) src(%dma_wait3A_20 : memref<632x128xf32, #tpu.memory_space<vmem_shared>>) dst(%dma_wait3A_18 : memref<632x128xf32, #tpu.memory_space<hbm>>)
      tpu.yield
    }) : () -> ()
    return
  }
}

#map = affine_map<(d0, d1) -> (0, 0)>
#map1 = affine_map<(d0, d1) -> (0, 0, 0)>
module attributes {stable_mosaic.version = 14 : i64} {
  func.func @k(%arg0: i32, %arg1: i32, %arg2: memref<10000x128xf32, #tpu.memory_space<hbm>>, %arg3: memref<2x5120x64xi32, #tpu.memory_space<hbm>>, %arg4: memref<10112x128xf32, #tpu.memory_space<hbm>>, %arg5: memref<2x10112x128xf32, #tpu.memory_space<hbm>>, %arg6: memref<40x64xi32, #tpu.memory_space<vmem>>, %arg7: memref<40x64xi32, #tpu.memory_space<vmem>>, %arg8: memref<64x128xf32, #tpu.memory_space<vmem>>, %arg9: memref<64x128xf32, #tpu.memory_space<vmem>>, %arg10: memref<64x128xf32, #tpu.memory_space<vmem>>, %arg11: memref<64x128xf32, #tpu.memory_space<vmem>>, %arg12: memref<!tpu.dma_semaphore, #tpu.memory_space<semaphore_mem>>, %arg13: memref<!tpu.dma_semaphore, #tpu.memory_space<semaphore_mem>>, %arg14: memref<!tpu.dma_semaphore, #tpu.memory_space<semaphore_mem>>, %arg15: memref<!tpu.dma_semaphore, #tpu.memory_space<semaphore_mem>>, %arg16: memref<10112x128xf32, #tpu.memory_space<vmem_shared>>) attributes {dimension_semantics = [#tpu.dimension_semantics<core_parallel>, #tpu.dimension_semantics<subcore_parallel>], iteration_bounds = array<i64: 2, 16>, scalar_prefetch = 0 : i64, scratch_operands = 11 : i64, tpu.core_type = #tpu.core_type<sc_vector_subcore>, window_params = [{transform_indices = #map}, {transform_indices = #map1}, {transform_indices = #map}, {transform_indices = #map1}]} {
    %mul3A = arith.constant 16 : i32
    %mul3A_0 = arith.muli %arg0, %mul3A : i32
    %add3A = arith.addi %mul3A_0, %arg1 : i32
    %eq3A = arith.constant 0 : i32
    %eq3A_1 = arith.cmpi eq, %arg1, %eq3A : i32
    %convert_element_type3A = arith.extui %eq3A_1 : i1 to i32
    %cond3A = arith.constant 0 : i32
    %cond3A_2 = arith.cmpi ne, %convert_element_type3A, %cond3A : i32
    scf.if %cond3A_2 {
      "tpu.region"() ({
        %run_scoped3A = tpu.sem_alloc : memref<!tpu.dma_semaphore, #tpu.memory_space<semaphore_mem>>
        tpu.enqueue_dma source(%arg4 : memref<10112x128xf32, #tpu.memory_space<hbm>>) target(%arg16 : memref<10112x128xf32, #tpu.memory_space<vmem_shared>>) target_semaphore(%run_scoped3A : memref<!tpu.dma_semaphore, #tpu.memory_space<semaphore_mem>>)
        tpu.wait_dma2 semaphore(%run_scoped3A : memref<!tpu.dma_semaphore, #tpu.memory_space<semaphore_mem>>) src(%arg4 : memref<10112x128xf32, #tpu.memory_space<hbm>>) dst(%arg16 : memref<10112x128xf32, #tpu.memory_space<vmem_shared>>)
        tpu.yield
      }) : () -> ()
    } else {
    }
    %barrier3A = arith.constant 0 : index
    tpu.barrier barrier_id(%barrier3A)
    %scan3A = arith.constant 0 : i32
    %scan3A_3 = arith.constant 0 : i32
    %scan3A_4 = arith.constant 4 : i32
    %scan3A_5 = arith.addi %scan3A_3, %scan3A_4 : i32
    %scan3A_6 = arith.constant 1 : i32
    scf.for %scan3A_13 = %scan3A_3 to %scan3A_5 step %scan3A_6  : i32 {
      %mul3A_14 = arith.constant 4 : i32
      %mul3A_15 = arith.muli %add3A, %mul3A_14 : i32
      %add3A_16 = arith.addi %mul3A_15, %scan3A_13 : i32
      %mul3A_17 = arith.constant 40 : i32
      %mul3A_18 = arith.muli %add3A_16, %mul3A_17 : i32
      %run_scoped3A = arith.constant 0 : i32
      "tpu.region"() ({
        %run_scoped3A_45 = tpu.sem_alloc : memref<!tpu.dma_semaphore, #tpu.memory_space<semaphore_mem>>
        %dma_start3A_46 = arith.constant 0 : i32
        %dma_start3A_47 = tpu.memref_slice %arg3[%run_scoped3A, %mul3A_18, %dma_start3A_46] : memref<2x5120x64xi32, #tpu.memory_space<hbm>> -> memref<1x40x64xi32, #tpu.memory_space<hbm>>
        %dma_start3A_48 = tpu.memref_squeeze %dma_start3A_47 : memref<1x40x64xi32, #tpu.memory_space<hbm>> -> memref<40x64xi32, #tpu.memory_space<hbm>>
        %dma_start3A_49 = arith.constant 0 : i32
        %dma_start3A_50 = tpu.memref_slice %arg3[%run_scoped3A, %mul3A_18, %dma_start3A_49] : memref<2x5120x64xi32, #tpu.memory_space<hbm>> -> memref<1x40x64xi32, #tpu.memory_space<hbm>>
        %dma_start3A_51 = tpu.memref_squeeze %dma_start3A_50 : memref<1x40x64xi32, #tpu.memory_space<hbm>> -> memref<40x64xi32, #tpu.memory_space<hbm>>
        tpu.enqueue_dma source(%dma_start3A_51 : memref<40x64xi32, #tpu.memory_space<hbm>>) target(%arg6 : memref<40x64xi32, #tpu.memory_space<vmem>>) target_semaphore(%run_scoped3A_45 : memref<!tpu.dma_semaphore, #tpu.memory_space<semaphore_mem>>)
        %dma_wait3A = arith.constant 0 : i32
        %dma_wait3A_52 = tpu.memref_slice %arg3[%run_scoped3A, %mul3A_18, %dma_wait3A] : memref<2x5120x64xi32, #tpu.memory_space<hbm>> -> memref<1x40x64xi32, #tpu.memory_space<hbm>>
        %dma_wait3A_53 = tpu.memref_squeeze %dma_wait3A_52 : memref<1x40x64xi32, #tpu.memory_space<hbm>> -> memref<40x64xi32, #tpu.memory_space<hbm>>
        %dma_wait3A_54 = arith.constant 0 : i32
        %dma_wait3A_55 = tpu.memref_slice %arg3[%run_scoped3A, %mul3A_18, %dma_wait3A_54] : memref<2x5120x64xi32, #tpu.memory_space<hbm>> -> memref<1x40x64xi32, #tpu.memory_space<hbm>>
        %dma_wait3A_56 = tpu.memref_squeeze %dma_wait3A_55 : memref<1x40x64xi32, #tpu.memory_space<hbm>> -> memref<40x64xi32, #tpu.memory_space<hbm>>
        tpu.wait_dma2 semaphore(%run_scoped3A_45 : memref<!tpu.dma_semaphore, #tpu.memory_space<semaphore_mem>>) src(%dma_wait3A_56 : memref<40x64xi32, #tpu.memory_space<hbm>>) dst(%arg6 : memref<40x64xi32, #tpu.memory_space<vmem>>)
        tpu.yield
      }) : () -> ()
      %run_scoped3A_19 = arith.constant 1 : i32
      "tpu.region"() ({
        %run_scoped3A_45 = tpu.sem_alloc : memref<!tpu.dma_semaphore, #tpu.memory_space<semaphore_mem>>
        %dma_start3A_46 = arith.constant 0 : i32
        %dma_start3A_47 = tpu.memref_slice %arg3[%run_scoped3A_19, %mul3A_18, %dma_start3A_46] : memref<2x5120x64xi32, #tpu.memory_space<hbm>> -> memref<1x40x64xi32, #tpu.memory_space<hbm>>
        %dma_start3A_48 = tpu.memref_squeeze %dma_start3A_47 : memref<1x40x64xi32, #tpu.memory_space<hbm>> -> memref<40x64xi32, #tpu.memory_space<hbm>>
        %dma_start3A_49 = arith.constant 0 : i32
        %dma_start3A_50 = tpu.memref_slice %arg3[%run_scoped3A_19, %mul3A_18, %dma_start3A_49] : memref<2x5120x64xi32, #tpu.memory_space<hbm>> -> memref<1x40x64xi32, #tpu.memory_space<hbm>>
        %dma_start3A_51 = tpu.memref_squeeze %dma_start3A_50 : memref<1x40x64xi32, #tpu.memory_space<hbm>> -> memref<40x64xi32, #tpu.memory_space<hbm>>
        tpu.enqueue_dma source(%dma_start3A_51 : memref<40x64xi32, #tpu.memory_space<hbm>>) target(%arg7 : memref<40x64xi32, #tpu.memory_space<vmem>>) target_semaphore(%run_scoped3A_45 : memref<!tpu.dma_semaphore, #tpu.memory_space<semaphore_mem>>)
        %dma_wait3A = arith.constant 0 : i32
        %dma_wait3A_52 = tpu.memref_slice %arg3[%run_scoped3A_19, %mul3A_18, %dma_wait3A] : memref<2x5120x64xi32, #tpu.memory_space<hbm>> -> memref<1x40x64xi32, #tpu.memory_space<hbm>>
        %dma_wait3A_53 = tpu.memref_squeeze %dma_wait3A_52 : memref<1x40x64xi32, #tpu.memory_space<hbm>> -> memref<40x64xi32, #tpu.memory_space<hbm>>
        %dma_wait3A_54 = arith.constant 0 : i32
        %dma_wait3A_55 = tpu.memref_slice %arg3[%run_scoped3A_19, %mul3A_18, %dma_wait3A_54] : memref<2x5120x64xi32, #tpu.memory_space<hbm>> -> memref<1x40x64xi32, #tpu.memory_space<hbm>>
        %dma_wait3A_56 = tpu.memref_squeeze %dma_wait3A_55 : memref<1x40x64xi32, #tpu.memory_space<hbm>> -> memref<40x64xi32, #tpu.memory_space<hbm>>
        tpu.wait_dma2 semaphore(%run_scoped3A_45 : memref<!tpu.dma_semaphore, #tpu.memory_space<semaphore_mem>>) src(%dma_wait3A_56 : memref<40x64xi32, #tpu.memory_space<hbm>>) dst(%arg7 : memref<40x64xi32, #tpu.memory_space<vmem>>)
        tpu.yield
      }) : () -> ()
      %dma_start3A = arith.constant 0 : i32
      %dma_start3A_20 = arith.constant 0 : i32
      %dma_start3A_21 = tpu.memref_slice %arg6[%dma_start3A, %dma_start3A_20] : memref<40x64xi32, #tpu.memory_space<vmem>> -> memref<1x64xi32, #tpu.memory_space<vmem>>
      %dma_start3A_22 = tpu.memref_squeeze %dma_start3A_21 : memref<1x64xi32, #tpu.memory_space<vmem>> -> memref<64xi32, #tpu.memory_space<vmem>>
      %dma_start3A_23 = arith.constant 0 : i32
      %dma_start3A_24 = arith.constant 0 : i32
      %dma_start3A_25 = tpu.memref_slice %arg2[%dma_start3A_23, %dma_start3A_24] : memref<10000x128xf32, #tpu.memory_space<hbm>> -> memref<10000x128xf32, #tpu.memory_space<hbm>>
      tpu.enqueue_indirect_dma source(%dma_start3A_25 : memref<10000x128xf32, #tpu.memory_space<hbm>>) target(%arg8 : memref<64x128xf32, #tpu.memory_space<vmem>>) offsets(%dma_start3A_22 : memref<64xi32, #tpu.memory_space<vmem>>) semaphore(%arg12 : memref<!tpu.dma_semaphore, #tpu.memory_space<semaphore_mem>>)
      %dma_start3A_26 = arith.constant 1 : i32
      %dma_start3A_27 = arith.constant 0 : i32
      %dma_start3A_28 = tpu.memref_slice %arg6[%dma_start3A_26, %dma_start3A_27] : memref<40x64xi32, #tpu.memory_space<vmem>> -> memref<1x64xi32, #tpu.memory_space<vmem>>
      %dma_start3A_29 = tpu.memref_squeeze %dma_start3A_28 : memref<1x64xi32, #tpu.memory_space<vmem>> -> memref<64xi32, #tpu.memory_space<vmem>>
      %dma_start3A_30 = arith.constant 0 : i32
      %dma_start3A_31 = arith.constant 0 : i32
      %dma_start3A_32 = tpu.memref_slice %arg2[%dma_start3A_30, %dma_start3A_31] : memref<10000x128xf32, #tpu.memory_space<hbm>> -> memref<10000x128xf32, #tpu.memory_space<hbm>>
      tpu.enqueue_indirect_dma source(%dma_start3A_32 : memref<10000x128xf32, #tpu.memory_space<hbm>>) target(%arg9 : memref<64x128xf32, #tpu.memory_space<vmem>>) offsets(%dma_start3A_29 : memref<64xi32, #tpu.memory_space<vmem>>) semaphore(%arg13 : memref<!tpu.dma_semaphore, #tpu.memory_space<semaphore_mem>>)
      %dma_start3A_33 = arith.constant 2 : i32
      %dma_start3A_34 = arith.constant 0 : i32
      %dma_start3A_35 = tpu.memref_slice %arg6[%dma_start3A_33, %dma_start3A_34] : memref<40x64xi32, #tpu.memory_space<vmem>> -> memref<1x64xi32, #tpu.memory_space<vmem>>
      %dma_start3A_36 = tpu.memref_squeeze %dma_start3A_35 : memref<1x64xi32, #tpu.memory_space<vmem>> -> memref<64xi32, #tpu.memory_space<vmem>>
      %dma_start3A_37 = arith.constant 0 : i32
      %dma_start3A_38 = arith.constant 0 : i32
      %dma_start3A_39 = tpu.memref_slice %arg2[%dma_start3A_37, %dma_start3A_38] : memref<10000x128xf32, #tpu.memory_space<hbm>> -> memref<10000x128xf32, #tpu.memory_space<hbm>>
      tpu.enqueue_indirect_dma source(%dma_start3A_39 : memref<10000x128xf32, #tpu.memory_space<hbm>>) target(%arg10 : memref<64x128xf32, #tpu.memory_space<vmem>>) offsets(%dma_start3A_36 : memref<64xi32, #tpu.memory_space<vmem>>) semaphore(%arg14 : memref<!tpu.dma_semaphore, #tpu.memory_space<semaphore_mem>>)
      %scan3A_40 = arith.constant 0 : i32
      %scan3A_41 = arith.constant 10 : i32
      %scan3A_42 = arith.addi %scan3A_40, %scan3A_41 : i32
      %scan3A_43 = arith.constant 1 : i32
      scf.for %scan3A_45 = %scan3A_40 to %scan3A_42 step %scan3A_43  : i32 {
        %mul3A_46 = arith.constant 4 : i32
        %mul3A_47 = arith.muli %mul3A_46, %scan3A_45 : i32
        %add3A_48 = arith.constant 0 : i32
        %add3A_49 = arith.addi %mul3A_47, %add3A_48 : i32
        %dma_wait3A = arith.constant 0 : i32
        %dma_wait3A_50 = tpu.memref_slice %arg6[%add3A_49, %dma_wait3A] : memref<40x64xi32, #tpu.memory_space<vmem>> -> memref<1x64xi32, #tpu.memory_space<vmem>>
        %dma_wait3A_51 = tpu.memref_squeeze %dma_wait3A_50 : memref<1x64xi32, #tpu.memory_space<vmem>> -> memref<64xi32, #tpu.memory_space<vmem>>
        %dma_wait3A_52 = arith.constant 0 : i32
        %dma_wait3A_53 = arith.constant 0 : i32
        %dma_wait3A_54 = tpu.memref_slice %arg2[%dma_wait3A_52, %dma_wait3A_53] : memref<10000x128xf32, #tpu.memory_space<hbm>> -> memref<10000x128xf32, #tpu.memory_space<hbm>>
        tpu.wait_indirect_dma semaphore(%arg12 : memref<!tpu.dma_semaphore, #tpu.memory_space<semaphore_mem>>) src(%dma_wait3A_54 : memref<10000x128xf32, #tpu.memory_space<hbm>>) dst(%arg8 : memref<64x128xf32, #tpu.memory_space<vmem>>)
        "tpu.region"() ({
          %run_scoped3A_119 = tpu.sem_alloc : memref<!tpu.dma_semaphore, #tpu.memory_space<semaphore_mem>>
          %dma_start3A_120 = arith.constant 0 : i32
          %dma_start3A_121 = tpu.memref_slice %arg7[%add3A_49, %dma_start3A_120] : memref<40x64xi32, #tpu.memory_space<vmem>> -> memref<1x64xi32, #tpu.memory_space<vmem>>
          %dma_start3A_122 = tpu.memref_squeeze %dma_start3A_121 : memref<1x64xi32, #tpu.memory_space<vmem>> -> memref<64xi32, #tpu.memory_space<vmem>>
          %dma_start3A_123 = arith.constant 0 : i32
          %dma_start3A_124 = arith.constant 0 : i32
          %dma_start3A_125 = tpu.memref_slice %arg16[%dma_start3A_123, %dma_start3A_124] : memref<10112x128xf32, #tpu.memory_space<vmem_shared>> -> memref<10112x128xf32, #tpu.memory_space<vmem_shared>>
          tpu.enqueue_indirect_dma source(%arg8 : memref<64x128xf32, #tpu.memory_space<vmem>>) target(%dma_start3A_125 : memref<10112x128xf32, #tpu.memory_space<vmem_shared>>) offsets(%dma_start3A_122 : memref<64xi32, #tpu.memory_space<vmem>>) semaphore(%run_scoped3A_119 : memref<!tpu.dma_semaphore, #tpu.memory_space<semaphore_mem>>) {add = true}
          %dma_wait3A_126 = arith.constant 0 : i32
          %dma_wait3A_127 = tpu.memref_slice %arg7[%add3A_49, %dma_wait3A_126] : memref<40x64xi32, #tpu.memory_space<vmem>> -> memref<1x64xi32, #tpu.memory_space<vmem>>
          %dma_wait3A_128 = tpu.memref_squeeze %dma_wait3A_127 : memref<1x64xi32, #tpu.memory_space<vmem>> -> memref<64xi32, #tpu.memory_space<vmem>>
          %dma_wait3A_129 = arith.constant 0 : i32
          %dma_wait3A_130 = arith.constant 0 : i32
          %dma_wait3A_131 = tpu.memref_slice %arg16[%dma_wait3A_129, %dma_wait3A_130] : memref<10112x128xf32, #tpu.memory_space<vmem_shared>> -> memref<10112x128xf32, #tpu.memory_space<vmem_shared>>
          tpu.wait_indirect_dma semaphore(%run_scoped3A_119 : memref<!tpu.dma_semaphore, #tpu.memory_space<semaphore_mem>>) src(%arg8 : memref<64x128xf32, #tpu.memory_space<vmem>>) dst(%dma_wait3A_131 : memref<10112x128xf32, #tpu.memory_space<vmem_shared>>)
          tpu.yield
        }) : () -> ()
        %add3A_55 = arith.constant 4 : i32
        %add3A_56 = arith.addi %add3A_49, %add3A_55 : i32
        %sub3A = arith.constant 1 : i32
        %sub3A_57 = arith.subi %add3A_56, %sub3A : i32
        %lt3A = arith.constant 40 : i32
        %lt3A_58 = arith.cmpi slt, %sub3A_57, %lt3A : i32
        %convert_element_type3A_59 = arith.extui %lt3A_58 : i1 to i32
        %cond3A_60 = arith.constant 0 : i32
        %cond3A_61 = arith.cmpi ne, %convert_element_type3A_59, %cond3A_60 : i32
        scf.if %cond3A_61 {
          %add3A_119 = arith.constant 4 : i32
          %add3A_120 = arith.addi %add3A_49, %add3A_119 : i32
          %sub3A_121 = arith.constant 1 : i32
          %sub3A_122 = arith.subi %add3A_120, %sub3A_121 : i32
          %dma_start3A_123 = arith.constant 0 : i32
          %dma_start3A_124 = tpu.memref_slice %arg6[%sub3A_122, %dma_start3A_123] : memref<40x64xi32, #tpu.memory_space<vmem>> -> memref<1x64xi32, #tpu.memory_space<vmem>>
          %dma_start3A_125 = tpu.memref_squeeze %dma_start3A_124 : memref<1x64xi32, #tpu.memory_space<vmem>> -> memref<64xi32, #tpu.memory_space<vmem>>
          %dma_start3A_126 = arith.constant 0 : i32
          %dma_start3A_127 = arith.constant 0 : i32
          %dma_start3A_128 = tpu.memref_slice %arg2[%dma_start3A_126, %dma_start3A_127] : memref<10000x128xf32, #tpu.memory_space<hbm>> -> memref<10000x128xf32, #tpu.memory_space<hbm>>
          tpu.enqueue_indirect_dma source(%dma_start3A_128 : memref<10000x128xf32, #tpu.memory_space<hbm>>) target(%arg11 : memref<64x128xf32, #tpu.memory_space<vmem>>) offsets(%dma_start3A_125 : memref<64xi32, #tpu.memory_space<vmem>>) semaphore(%arg15 : memref<!tpu.dma_semaphore, #tpu.memory_space<semaphore_mem>>)
        } else {
        }
        %mul3A_62 = arith.constant 4 : i32
        %mul3A_63 = arith.muli %mul3A_62, %scan3A_45 : i32
        %add3A_64 = arith.constant 1 : i32
        %add3A_65 = arith.addi %mul3A_63, %add3A_64 : i32
        %dma_wait3A_66 = arith.constant 0 : i32
        %dma_wait3A_67 = tpu.memref_slice %arg6[%add3A_65, %dma_wait3A_66] : memref<40x64xi32, #tpu.memory_space<vmem>> -> memref<1x64xi32, #tpu.memory_space<vmem>>
        %dma_wait3A_68 = tpu.memref_squeeze %dma_wait3A_67 : memref<1x64xi32, #tpu.memory_space<vmem>> -> memref<64xi32, #tpu.memory_space<vmem>>
        %dma_wait3A_69 = arith.constant 0 : i32
        %dma_wait3A_70 = arith.constant 0 : i32
        %dma_wait3A_71 = tpu.memref_slice %arg2[%dma_wait3A_69, %dma_wait3A_70] : memref<10000x128xf32, #tpu.memory_space<hbm>> -> memref<10000x128xf32, #tpu.memory_space<hbm>>
        tpu.wait_indirect_dma semaphore(%arg13 : memref<!tpu.dma_semaphore, #tpu.memory_space<semaphore_mem>>) src(%dma_wait3A_71 : memref<10000x128xf32, #tpu.memory_space<hbm>>) dst(%arg9 : memref<64x128xf32, #tpu.memory_space<vmem>>)
        "tpu.region"() ({
          %run_scoped3A_119 = tpu.sem_alloc : memref<!tpu.dma_semaphore, #tpu.memory_space<semaphore_mem>>
          %dma_start3A_120 = arith.constant 0 : i32
          %dma_start3A_121 = tpu.memref_slice %arg7[%add3A_65, %dma_start3A_120] : memref<40x64xi32, #tpu.memory_space<vmem>> -> memref<1x64xi32, #tpu.memory_space<vmem>>
          %dma_start3A_122 = tpu.memref_squeeze %dma_start3A_121 : memref<1x64xi32, #tpu.memory_space<vmem>> -> memref<64xi32, #tpu.memory_space<vmem>>
          %dma_start3A_123 = arith.constant 0 : i32
          %dma_start3A_124 = arith.constant 0 : i32
          %dma_start3A_125 = tpu.memref_slice %arg16[%dma_start3A_123, %dma_start3A_124] : memref<10112x128xf32, #tpu.memory_space<vmem_shared>> -> memref<10112x128xf32, #tpu.memory_space<vmem_shared>>
          tpu.enqueue_indirect_dma source(%arg9 : memref<64x128xf32, #tpu.memory_space<vmem>>) target(%dma_start3A_125 : memref<10112x128xf32, #tpu.memory_space<vmem_shared>>) offsets(%dma_start3A_122 : memref<64xi32, #tpu.memory_space<vmem>>) semaphore(%run_scoped3A_119 : memref<!tpu.dma_semaphore, #tpu.memory_space<semaphore_mem>>) {add = true}
          %dma_wait3A_126 = arith.constant 0 : i32
          %dma_wait3A_127 = tpu.memref_slice %arg7[%add3A_65, %dma_wait3A_126] : memref<40x64xi32, #tpu.memory_space<vmem>> -> memref<1x64xi32, #tpu.memory_space<vmem>>
          %dma_wait3A_128 = tpu.memref_squeeze %dma_wait3A_127 : memref<1x64xi32, #tpu.memory_space<vmem>> -> memref<64xi32, #tpu.memory_space<vmem>>
          %dma_wait3A_129 = arith.constant 0 : i32
          %dma_wait3A_130 = arith.constant 0 : i32
          %dma_wait3A_131 = tpu.memref_slice %arg16[%dma_wait3A_129, %dma_wait3A_130] : memref<10112x128xf32, #tpu.memory_space<vmem_shared>> -> memref<10112x128xf32, #tpu.memory_space<vmem_shared>>
          tpu.wait_indirect_dma semaphore(%run_scoped3A_119 : memref<!tpu.dma_semaphore, #tpu.memory_space<semaphore_mem>>) src(%arg9 : memref<64x128xf32, #tpu.memory_space<vmem>>) dst(%dma_wait3A_131 : memref<10112x128xf32, #tpu.memory_space<vmem_shared>>)
          tpu.yield
        }) : () -> ()
        %add3A_72 = arith.constant 4 : i32
        %add3A_73 = arith.addi %add3A_65, %add3A_72 : i32
        %sub3A_74 = arith.constant 1 : i32
        %sub3A_75 = arith.subi %add3A_73, %sub3A_74 : i32
        %lt3A_76 = arith.constant 40 : i32
        %lt3A_77 = arith.cmpi slt, %sub3A_75, %lt3A_76 : i32
        %convert_element_type3A_78 = arith.extui %lt3A_77 : i1 to i32
        %cond3A_79 = arith.constant 0 : i32
        %cond3A_80 = arith.cmpi ne, %convert_element_type3A_78, %cond3A_79 : i32
        scf.if %cond3A_80 {
          %add3A_119 = arith.constant 4 : i32
          %add3A_120 = arith.addi %add3A_65, %add3A_119 : i32
          %sub3A_121 = arith.constant 1 : i32
          %sub3A_122 = arith.subi %add3A_120, %sub3A_121 : i32
          %dma_start3A_123 = arith.constant 0 : i32
          %dma_start3A_124 = tpu.memref_slice %arg6[%sub3A_122, %dma_start3A_123] : memref<40x64xi32, #tpu.memory_space<vmem>> -> memref<1x64xi32, #tpu.memory_space<vmem>>
          %dma_start3A_125 = tpu.memref_squeeze %dma_start3A_124 : memref<1x64xi32, #tpu.memory_space<vmem>> -> memref<64xi32, #tpu.memory_space<vmem>>
          %dma_start3A_126 = arith.constant 0 : i32
          %dma_start3A_127 = arith.constant 0 : i32
          %dma_start3A_128 = tpu.memref_slice %arg2[%dma_start3A_126, %dma_start3A_127] : memref<10000x128xf32, #tpu.memory_space<hbm>> -> memref<10000x128xf32, #tpu.memory_space<hbm>>
          tpu.enqueue_indirect_dma source(%dma_start3A_128 : memref<10000x128xf32, #tpu.memory_space<hbm>>) target(%arg8 : memref<64x128xf32, #tpu.memory_space<vmem>>) offsets(%dma_start3A_125 : memref<64xi32, #tpu.memory_space<vmem>>) semaphore(%arg12 : memref<!tpu.dma_semaphore, #tpu.memory_space<semaphore_mem>>)
        } else {
        }
        %mul3A_81 = arith.constant 4 : i32
        %mul3A_82 = arith.muli %mul3A_81, %scan3A_45 : i32
        %add3A_83 = arith.constant 2 : i32
        %add3A_84 = arith.addi %mul3A_82, %add3A_83 : i32
        %dma_wait3A_85 = arith.constant 0 : i32
        %dma_wait3A_86 = tpu.memref_slice %arg6[%add3A_84, %dma_wait3A_85] : memref<40x64xi32, #tpu.memory_space<vmem>> -> memref<1x64xi32, #tpu.memory_space<vmem>>
        %dma_wait3A_87 = tpu.memref_squeeze %dma_wait3A_86 : memref<1x64xi32, #tpu.memory_space<vmem>> -> memref<64xi32, #tpu.memory_space<vmem>>
        %dma_wait3A_88 = arith.constant 0 : i32
        %dma_wait3A_89 = arith.constant 0 : i32
        %dma_wait3A_90 = tpu.memref_slice %arg2[%dma_wait3A_88, %dma_wait3A_89] : memref<10000x128xf32, #tpu.memory_space<hbm>> -> memref<10000x128xf32, #tpu.memory_space<hbm>>
        tpu.wait_indirect_dma semaphore(%arg14 : memref<!tpu.dma_semaphore, #tpu.memory_space<semaphore_mem>>) src(%dma_wait3A_90 : memref<10000x128xf32, #tpu.memory_space<hbm>>) dst(%arg10 : memref<64x128xf32, #tpu.memory_space<vmem>>)
        "tpu.region"() ({
          %run_scoped3A_119 = tpu.sem_alloc : memref<!tpu.dma_semaphore, #tpu.memory_space<semaphore_mem>>
          %dma_start3A_120 = arith.constant 0 : i32
          %dma_start3A_121 = tpu.memref_slice %arg7[%add3A_84, %dma_start3A_120] : memref<40x64xi32, #tpu.memory_space<vmem>> -> memref<1x64xi32, #tpu.memory_space<vmem>>
          %dma_start3A_122 = tpu.memref_squeeze %dma_start3A_121 : memref<1x64xi32, #tpu.memory_space<vmem>> -> memref<64xi32, #tpu.memory_space<vmem>>
          %dma_start3A_123 = arith.constant 0 : i32
          %dma_start3A_124 = arith.constant 0 : i32
          %dma_start3A_125 = tpu.memref_slice %arg16[%dma_start3A_123, %dma_start3A_124] : memref<10112x128xf32, #tpu.memory_space<vmem_shared>> -> memref<10112x128xf32, #tpu.memory_space<vmem_shared>>
          tpu.enqueue_indirect_dma source(%arg10 : memref<64x128xf32, #tpu.memory_space<vmem>>) target(%dma_start3A_125 : memref<10112x128xf32, #tpu.memory_space<vmem_shared>>) offsets(%dma_start3A_122 : memref<64xi32, #tpu.memory_space<vmem>>) semaphore(%run_scoped3A_119 : memref<!tpu.dma_semaphore, #tpu.memory_space<semaphore_mem>>) {add = true}
          %dma_wait3A_126 = arith.constant 0 : i32
          %dma_wait3A_127 = tpu.memref_slice %arg7[%add3A_84, %dma_wait3A_126] : memref<40x64xi32, #tpu.memory_space<vmem>> -> memref<1x64xi32, #tpu.memory_space<vmem>>
          %dma_wait3A_128 = tpu.memref_squeeze %dma_wait3A_127 : memref<1x64xi32, #tpu.memory_space<vmem>> -> memref<64xi32, #tpu.memory_space<vmem>>
          %dma_wait3A_129 = arith.constant 0 : i32
          %dma_wait3A_130 = arith.constant 0 : i32
          %dma_wait3A_131 = tpu.memref_slice %arg16[%dma_wait3A_129, %dma_wait3A_130] : memref<10112x128xf32, #tpu.memory_space<vmem_shared>> -> memref<10112x128xf32, #tpu.memory_space<vmem_shared>>
          tpu.wait_indirect_dma semaphore(%run_scoped3A_119 : memref<!tpu.dma_semaphore, #tpu.memory_space<semaphore_mem>>) src(%arg10 : memref<64x128xf32, #tpu.memory_space<vmem>>) dst(%dma_wait3A_131 : memref<10112x128xf32, #tpu.memory_space<vmem_shared>>)
          tpu.yield
        }) : () -> ()
        %add3A_91 = arith.constant 4 : i32
        %add3A_92 = arith.addi %add3A_84, %add3A_91 : i32
        %sub3A_93 = arith.constant 1 : i32
        %sub3A_94 = arith.subi %add3A_92, %sub3A_93 : i32
        %lt3A_95 = arith.constant 40 : i32
        %lt3A_96 = arith.cmpi slt, %sub3A_94, %lt3A_95 : i32
        %convert_element_type3A_97 = arith.extui %lt3A_96 : i1 to i32
        %cond3A_98 = arith.constant 0 : i32
        %cond3A_99 = arith.cmpi ne, %convert_element_type3A_97, %cond3A_98 : i32
        scf.if %cond3A_99 {
          %add3A_119 = arith.constant 4 : i32
          %add3A_120 = arith.addi %add3A_84, %add3A_119 : i32
          %sub3A_121 = arith.constant 1 : i32
          %sub3A_122 = arith.subi %add3A_120, %sub3A_121 : i32
          %dma_start3A_123 = arith.constant 0 : i32
          %dma_start3A_124 = tpu.memref_slice %arg6[%sub3A_122, %dma_start3A_123] : memref<40x64xi32, #tpu.memory_space<vmem>> -> memref<1x64xi32, #tpu.memory_space<vmem>>
          %dma_start3A_125 = tpu.memref_squeeze %dma_start3A_124 : memref<1x64xi32, #tpu.memory_space<vmem>> -> memref<64xi32, #tpu.memory_space<vmem>>
          %dma_start3A_126 = arith.constant 0 : i32
          %dma_start3A_127 = arith.constant 0 : i32
          %dma_start3A_128 = tpu.memref_slice %arg2[%dma_start3A_126, %dma_start3A_127] : memref<10000x128xf32, #tpu.memory_space<hbm>> -> memref<10000x128xf32, #tpu.memory_space<hbm>>
          tpu.enqueue_indirect_dma source(%dma_start3A_128 : memref<10000x128xf32, #tpu.memory_space<hbm>>) target(%arg9 : memref<64x128xf32, #tpu.memory_space<vmem>>) offsets(%dma_start3A_125 : memref<64xi32, #tpu.memory_space<vmem>>) semaphore(%arg13 : memref<!tpu.dma_semaphore, #tpu.memory_space<semaphore_mem>>)
        } else {
        }
        %mul3A_100 = arith.constant 4 : i32
        %mul3A_101 = arith.muli %mul3A_100, %scan3A_45 : i32
        %add3A_102 = arith.constant 3 : i32
        %add3A_103 = arith.addi %mul3A_101, %add3A_102 : i32
        %dma_wait3A_104 = arith.constant 0 : i32
        %dma_wait3A_105 = tpu.memref_slice %arg6[%add3A_103, %dma_wait3A_104] : memref<40x64xi32, #tpu.memory_space<vmem>> -> memref<1x64xi32, #tpu.memory_space<vmem>>
        %dma_wait3A_106 = tpu.memref_squeeze %dma_wait3A_105 : memref<1x64xi32, #tpu.memory_space<vmem>> -> memref<64xi32, #tpu.memory_space<vmem>>
        %dma_wait3A_107 = arith.constant 0 : i32
        %dma_wait3A_108 = arith.constant 0 : i32
        %dma_wait3A_109 = tpu.memref_slice %arg2[%dma_wait3A_107, %dma_wait3A_108] : memref<10000x128xf32, #tpu.memory_space<hbm>> -> memref<10000x128xf32, #tpu.memory_space<hbm>>
        tpu.wait_indirect_dma semaphore(%arg15 : memref<!tpu.dma_semaphore, #tpu.memory_space<semaphore_mem>>) src(%dma_wait3A_109 : memref<10000x128xf32, #tpu.memory_space<hbm>>) dst(%arg11 : memref<64x128xf32, #tpu.memory_space<vmem>>)
        "tpu.region"() ({
          %run_scoped3A_119 = tpu.sem_alloc : memref<!tpu.dma_semaphore, #tpu.memory_space<semaphore_mem>>
          %dma_start3A_120 = arith.constant 0 : i32
          %dma_start3A_121 = tpu.memref_slice %arg7[%add3A_103, %dma_start3A_120] : memref<40x64xi32, #tpu.memory_space<vmem>> -> memref<1x64xi32, #tpu.memory_space<vmem>>
          %dma_start3A_122 = tpu.memref_squeeze %dma_start3A_121 : memref<1x64xi32, #tpu.memory_space<vmem>> -> memref<64xi32, #tpu.memory_space<vmem>>
          %dma_start3A_123 = arith.constant 0 : i32
          %dma_start3A_124 = arith.constant 0 : i32
          %dma_start3A_125 = tpu.memref_slice %arg16[%dma_start3A_123, %dma_start3A_124] : memref<10112x128xf32, #tpu.memory_space<vmem_shared>> -> memref<10112x128xf32, #tpu.memory_space<vmem_shared>>
          tpu.enqueue_indirect_dma source(%arg11 : memref<64x128xf32, #tpu.memory_space<vmem>>) target(%dma_start3A_125 : memref<10112x128xf32, #tpu.memory_space<vmem_shared>>) offsets(%dma_start3A_122 : memref<64xi32, #tpu.memory_space<vmem>>) semaphore(%run_scoped3A_119 : memref<!tpu.dma_semaphore, #tpu.memory_space<semaphore_mem>>) {add = true}
          %dma_wait3A_126 = arith.constant 0 : i32
          %dma_wait3A_127 = tpu.memref_slice %arg7[%add3A_103, %dma_wait3A_126] : memref<40x64xi32, #tpu.memory_space<vmem>> -> memref<1x64xi32, #tpu.memory_space<vmem>>
          %dma_wait3A_128 = tpu.memref_squeeze %dma_wait3A_127 : memref<1x64xi32, #tpu.memory_space<vmem>> -> memref<64xi32, #tpu.memory_space<vmem>>
          %dma_wait3A_129 = arith.constant 0 : i32
          %dma_wait3A_130 = arith.constant 0 : i32
          %dma_wait3A_131 = tpu.memref_slice %arg16[%dma_wait3A_129, %dma_wait3A_130] : memref<10112x128xf32, #tpu.memory_space<vmem_shared>> -> memref<10112x128xf32, #tpu.memory_space<vmem_shared>>
          tpu.wait_indirect_dma semaphore(%run_scoped3A_119 : memref<!tpu.dma_semaphore, #tpu.memory_space<semaphore_mem>>) src(%arg11 : memref<64x128xf32, #tpu.memory_space<vmem>>) dst(%dma_wait3A_131 : memref<10112x128xf32, #tpu.memory_space<vmem_shared>>)
          tpu.yield
        }) : () -> ()
        %add3A_110 = arith.constant 4 : i32
        %add3A_111 = arith.addi %add3A_103, %add3A_110 : i32
        %sub3A_112 = arith.constant 1 : i32
        %sub3A_113 = arith.subi %add3A_111, %sub3A_112 : i32
        %lt3A_114 = arith.constant 40 : i32
        %lt3A_115 = arith.cmpi slt, %sub3A_113, %lt3A_114 : i32
        %convert_element_type3A_116 = arith.extui %lt3A_115 : i1 to i32
        %cond3A_117 = arith.constant 0 : i32
        %cond3A_118 = arith.cmpi ne, %convert_element_type3A_116, %cond3A_117 : i32
        scf.if %cond3A_118 {
          %add3A_119 = arith.constant 4 : i32
          %add3A_120 = arith.addi %add3A_103, %add3A_119 : i32
          %sub3A_121 = arith.constant 1 : i32
          %sub3A_122 = arith.subi %add3A_120, %sub3A_121 : i32
          %dma_start3A_123 = arith.constant 0 : i32
          %dma_start3A_124 = tpu.memref_slice %arg6[%sub3A_122, %dma_start3A_123] : memref<40x64xi32, #tpu.memory_space<vmem>> -> memref<1x64xi32, #tpu.memory_space<vmem>>
          %dma_start3A_125 = tpu.memref_squeeze %dma_start3A_124 : memref<1x64xi32, #tpu.memory_space<vmem>> -> memref<64xi32, #tpu.memory_space<vmem>>
          %dma_start3A_126 = arith.constant 0 : i32
          %dma_start3A_127 = arith.constant 0 : i32
          %dma_start3A_128 = tpu.memref_slice %arg2[%dma_start3A_126, %dma_start3A_127] : memref<10000x128xf32, #tpu.memory_space<hbm>> -> memref<10000x128xf32, #tpu.memory_space<hbm>>
          tpu.enqueue_indirect_dma source(%dma_start3A_128 : memref<10000x128xf32, #tpu.memory_space<hbm>>) target(%arg10 : memref<64x128xf32, #tpu.memory_space<vmem>>) offsets(%dma_start3A_125 : memref<64xi32, #tpu.memory_space<vmem>>) semaphore(%arg14 : memref<!tpu.dma_semaphore, #tpu.memory_space<semaphore_mem>>)
        } else {
        }
      }
      %scan3A_44 = arith.constant 10 : i32
    }
    %scan3A_7 = arith.constant 4 : i32
    %barrier3A_8 = arith.constant 0 : index
    tpu.barrier barrier_id(%barrier3A_8)
    %mul3A_9 = arith.constant 632 : i32
    %mul3A_10 = arith.muli %arg1, %mul3A_9 : i32
    %mul3A_11 = arith.constant 632 : i32
    %mul3A_12 = arith.muli %arg1, %mul3A_11 : i32
    "tpu.region"() ({
      %run_scoped3A = tpu.sem_alloc : memref<!tpu.dma_semaphore, #tpu.memory_space<semaphore_mem>>
      %dma_start3A = arith.constant 0 : i32
      %dma_start3A_13 = tpu.memref_slice %arg5[%arg0, %mul3A_12, %dma_start3A] : memref<2x10112x128xf32, #tpu.memory_space<hbm>> -> memref<1x632x128xf32, #tpu.memory_space<hbm>>
      %dma_start3A_14 = tpu.memref_squeeze %dma_start3A_13 : memref<1x632x128xf32, #tpu.memory_space<hbm>> -> memref<632x128xf32, #tpu.memory_space<hbm>>
      %dma_start3A_15 = arith.constant 0 : i32
      %dma_start3A_16 = tpu.memref_slice %arg16[%mul3A_10, %dma_start3A_15] : memref<10112x128xf32, #tpu.memory_space<vmem_shared>> -> memref<632x128xf32, #tpu.memory_space<vmem_shared>>
      tpu.enqueue_dma source(%dma_start3A_16 : memref<632x128xf32, #tpu.memory_space<vmem_shared>>) target(%dma_start3A_14 : memref<632x128xf32, #tpu.memory_space<hbm>>) target_semaphore(%run_scoped3A : memref<!tpu.dma_semaphore, #tpu.memory_space<semaphore_mem>>)
      %dma_wait3A = arith.constant 0 : i32
      %dma_wait3A_17 = tpu.memref_slice %arg5[%arg0, %mul3A_12, %dma_wait3A] : memref<2x10112x128xf32, #tpu.memory_space<hbm>> -> memref<1x632x128xf32, #tpu.memory_space<hbm>>
      %dma_wait3A_18 = tpu.memref_squeeze %dma_wait3A_17 : memref<1x632x128xf32, #tpu.memory_space<hbm>> -> memref<632x128xf32, #tpu.memory_space<hbm>>
      %dma_wait3A_19 = arith.constant 0 : i32
      %dma_wait3A_20 = tpu.memref_slice %arg16[%mul3A_10, %dma_wait3A_19] : memref<10112x128xf32, #tpu.memory_space<vmem_shared>> -> memref<632x128xf32, #tpu.memory_space<vmem_shared>>
      tpu.wait_dma2 semaphore(%run_scoped3A : memref<!tpu.dma_semaphore, #tpu.memory_space<semaphore_mem>>) src(%dma_wait3A_20 : memref<632x128xf32, #tpu.memory_space<vmem_shared>>) dst(%dma_wait3A_18 : memref<632x128xf32, #tpu.memory_space<hbm>>)
      tpu.yield
    }) : () -> ()
    return
  }
}

module attributes {stable_mosaic.version = 14 : i64} {
  func.func @body(%arg0: i32, %arg1: memref<2000x128xf32, #tpu.memory_space<vmem>>, %arg2: memref<2x2000x128xf32, #tpu.memory_space<vmem>>, %arg3: memref<2000x128xf32, #tpu.memory_space<vmem>>) attributes {dimension_semantics = [#tpu.dimension_semantics<arbitrary>], iteration_bounds = array<i64: 5>, scalar_prefetch = 0 : i64, scratch_operands = 0 : i64, tpu.core_type = #tpu.core_type<tc>, window_params = [{transform_indices = @transform_0, window_bounds = array<i64: 2000, 128>}, {transform_indices = @transform_1, window_bounds = array<i64: 2, 2000, 128>}, {transform_indices = @transform_2, window_bounds = array<i64: 2000, 128>}]} {
    %get3A = arith.constant 0 : index
    %get3A_0 = arith.constant 0 : index
    %get3A_1 = arith.constant 0 : index
    %get3A_2 = vector.load %arg2[%get3A, %get3A_0, %get3A_1] : memref<2x2000x128xf32, #tpu.memory_space<vmem>>, vector<2x2000x128xf32>
    %slice3A = vector.extract_strided_slice %get3A_2 {offsets = [0, 0, 0], sizes = [1, 2000, 1], strides = [1, 1, 1]} : vector<2x2000x128xf32> to vector<1x2000x1xf32>
    %squeeze3A = vector.shape_cast %slice3A : vector<1x2000x1xf32> to vector<2000x1xf32>
    %slice3A_3 = vector.extract_strided_slice %get3A_2 {offsets = [1, 0, 0], sizes = [1, 2000, 1], strides = [1, 1, 1]} : vector<2x2000x128xf32> to vector<1x2000x1xf32>
    %squeeze3A_4 = vector.shape_cast %slice3A_3 : vector<1x2000x1xf32> to vector<2000x1xf32>
    %add3A = arith.addf %squeeze3A, %squeeze3A_4 : vector<2000x1xf32>
    %add3A_5 = arith.constant 1.000000e+00 : f32
    %add3A_6 = vector.broadcast %add3A_5 : f32 to vector<2000x1xf32>
    %add3A_7 = arith.addf %add3A, %add3A_6 : vector<2000x1xf32>
    %rsqrt3A = math.rsqrt %add3A_7 : vector<2000x1xf32>
    %get3A_8 = arith.constant 0 : index
    %get3A_9 = arith.constant 0 : index
    %get3A_10 = vector.load %arg1[%get3A_8, %get3A_9] : memref<2000x128xf32, #tpu.memory_space<vmem>>, vector<2000x128xf32>
    %mul3A = vector.broadcast %rsqrt3A : vector<2000x1xf32> to vector<2000x128xf32>
    %mul3A_11 = arith.mulf %get3A_10, %mul3A : vector<2000x128xf32>
    %swap3A = arith.constant 0 : index
    %swap3A_12 = arith.constant 0 : index
    %swap3A_13 = vector.load %arg3[%swap3A, %swap3A_12] : memref<2000x128xf32, #tpu.memory_space<vmem>>, vector<2000x128xf32>
    tpu.vector_store %arg3[%swap3A, %swap3A_12], %mul3A_11 {strides = array<i32>} : memref<2000x128xf32, #tpu.memory_space<vmem>>, vector<2000x128xf32>,
    return
  }
  func.func @transform_0(%arg0: i32) -> (i32, i32) {
    %c0_i32 = arith.constant 0 : i32
    %c0_i32_0 = arith.constant 0 : i32
    return %arg0, %c0_i32 : i32, i32
  }
  func.func @transform_1(%arg0: i32) -> (i32, i32, i32) {
    %c0_i32 = arith.constant 0 : i32
    %c0_i32_0 = arith.constant 0 : i32
    %c0_i32_1 = arith.constant 0 : i32
    return %c0_i32, %arg0, %c0_i32_0 : i32, i32, i32
  }
  func.func @transform_2(%arg0: i32) -> (i32, i32) {
    %c0_i32 = arith.constant 0 : i32
    %c0_i32_0 = arith.constant 0 : i32
    return %arg0, %c0_i32 : i32, i32
  }
}

module attributes {stable_mosaic.version = 14 : i64} {
  func.func @body(%arg0: i32, %arg1: memref<2x2000x128xf32, #tpu.memory_space<vmem>>, %arg2: memref<2000x128xf32, #tpu.memory_space<vmem>>, %arg3: memref<2x2000x128xf32, #tpu.memory_space<vmem>>, %arg4: memref<128x256xf32, #tpu.memory_space<vmem>>, %arg5: memref<1x256xf32, #tpu.memory_space<vmem>>, %arg6: memref<256x128xf32, #tpu.memory_space<vmem>>, %arg7: memref<2000x128xf32, #tpu.memory_space<vmem>>) attributes {dimension_semantics = [#tpu.dimension_semantics<arbitrary>], iteration_bounds = array<i64: 5>, scalar_prefetch = 0 : i64, scratch_operands = 0 : i64, tpu.core_type = #tpu.core_type<tc>, window_params = [{transform_indices = @transform_0, window_bounds = array<i64: 2, 2000, 128>}, {transform_indices = @transform_1, window_bounds = array<i64: 2000, 128>}, {transform_indices = @transform_2, window_bounds = array<i64: 2, 2000, 128>}, {pipeline_mode = #tpu.pipeline_mode<synchronous>, transform_indices = @transform_3, window_bounds = array<i64: 128, 256>}, {pipeline_mode = #tpu.pipeline_mode<synchronous>, transform_indices = @transform_4, window_bounds = array<i64: 1, 256>}, {pipeline_mode = #tpu.pipeline_mode<synchronous>, transform_indices = @transform_5, window_bounds = array<i64: 256, 128>}, {transform_indices = @transform_6, window_bounds = array<i64: 2000, 128>}]} {
    %get3A = arith.constant 0 : index
    %get3A_0 = arith.constant 0 : index
    %get3A_1 = arith.constant 0 : index
    %get3A_2 = vector.load %arg3[%get3A, %get3A_0, %get3A_1] : memref<2x2000x128xf32, #tpu.memory_space<vmem>>, vector<2x2000x128xf32>
    %slice3A = vector.extract_strided_slice %get3A_2 {offsets = [0, 0, 0], sizes = [1, 2000, 1], strides = [1, 1, 1]} : vector<2x2000x128xf32> to vector<1x2000x1xf32>
    %squeeze3A = vector.shape_cast %slice3A : vector<1x2000x1xf32> to vector<2000x1xf32>
    %slice3A_3 = vector.extract_strided_slice %get3A_2 {offsets = [1, 0, 0], sizes = [1, 2000, 1], strides = [1, 1, 1]} : vector<2x2000x128xf32> to vector<1x2000x1xf32>
    %squeeze3A_4 = vector.shape_cast %slice3A_3 : vector<1x2000x1xf32> to vector<2000x1xf32>
    %add3A = arith.addf %squeeze3A, %squeeze3A_4 : vector<2000x1xf32>
    %add3A_5 = arith.constant 1.000000e+00 : f32
    %add3A_6 = vector.broadcast %add3A_5 : f32 to vector<2000x1xf32>
    %add3A_7 = arith.addf %add3A, %add3A_6 : vector<2000x1xf32>
    %rsqrt3A = math.rsqrt %add3A_7 : vector<2000x1xf32>
    %get3A_8 = arith.constant 0 : index
    %get3A_9 = arith.constant 0 : index
    %get3A_10 = arith.constant 0 : index
    %get3A_11 = vector.load %arg1[%get3A_8, %get3A_9, %get3A_10] : memref<2x2000x128xf32, #tpu.memory_space<vmem>>, vector<2x2000x128xf32>
    %slice3A_12 = vector.extract_strided_slice %get3A_11 {offsets = [0, 0, 0], sizes = [1, 2000, 128], strides = [1, 1, 1]} : vector<2x2000x128xf32> to vector<1x2000x128xf32>
    %squeeze3A_13 = vector.shape_cast %slice3A_12 : vector<1x2000x128xf32> to vector<2000x128xf32>
    %slice3A_14 = vector.extract_strided_slice %get3A_11 {offsets = [1, 0, 0], sizes = [1, 2000, 128], strides = [1, 1, 1]} : vector<2x2000x128xf32> to vector<1x2000x128xf32>
    %squeeze3A_15 = vector.shape_cast %slice3A_14 : vector<1x2000x128xf32> to vector<2000x128xf32>
    %add3A_16 = arith.addf %squeeze3A_13, %squeeze3A_15 : vector<2000x128xf32>
    %get3A_17 = arith.constant 0 : index
    %get3A_18 = arith.constant 0 : index
    %get3A_19 = vector.load %arg2[%get3A_17, %get3A_18] : memref<2000x128xf32, #tpu.memory_space<vmem>>, vector<2000x128xf32>
    %add3A_20 = arith.addf %add3A_16, %get3A_19 : vector<2000x128xf32>
    %mul3A = vector.broadcast %rsqrt3A : vector<2000x1xf32> to vector<2000x128xf32>
    %mul3A_21 = arith.mulf %mul3A, %add3A_20 : vector<2000x128xf32>
    %get3A_22 = arith.constant 0 : index
    %get3A_23 = arith.constant 0 : index
    %get3A_24 = vector.load %arg4[%get3A_22, %get3A_23] : memref<128x256xf32, #tpu.memory_space<vmem>>, vector<128x256xf32>
    %dot_general3A = arith.constant dense<0.000000e+00> : vector<2000x256xf32>
    %dot_general3A_25 = tpu.matmul %mul3A_21, %get3A_24, %dot_general3A {dimension_numbers = #tpu.dot_dimension_numbers<[1], [0], [0], [1], [0, 0, 1, 1], [], []>, transpose_lhs_hint = false} : vector<2000x128xf32>, vector<128x256xf32>, vector<2000x256xf32> -> vector<2000x256xf32>
    %get3A_26 = arith.constant 0 : index
    %get3A_27 = arith.constant 0 : index
    %get3A_28 = vector.load %arg5[%get3A_26, %get3A_27] : memref<1x256xf32, #tpu.memory_space<vmem>>, vector<1x256xf32>
    %add3A_29 = vector.broadcast %get3A_28 : vector<1x256xf32> to vector<2000x256xf32>
    %add3A_30 = arith.addf %dot_general3A_25, %add3A_29 : vector<2000x256xf32>
    %max3A = arith.constant 0.000000e+00 : f32
    %max3A_31 = vector.broadcast %max3A : f32 to vector<2000x256xf32>
    %max3A_32 = arith.maximumf %add3A_30, %max3A_31 : vector<2000x256xf32>
    %get3A_33 = arith.constant 0 : index
    %get3A_34 = arith.constant 0 : index
    %get3A_35 = vector.load %arg6[%get3A_33, %get3A_34] : memref<256x128xf32, #tpu.memory_space<vmem>>, vector<256x128xf32>
    %dot_general3A_36 = arith.constant dense<0.000000e+00> : vector<2000x128xf32>
    %dot_general3A_37 = tpu.matmul %max3A_32, %get3A_35, %dot_general3A_36 {dimension_numbers = #tpu.dot_dimension_numbers<[1], [0], [0], [1], [0, 0, 1, 1], [], []>, transpose_lhs_hint = false} : vector<2000x256xf32>, vector<256x128xf32>, vector<2000x128xf32> -> vector<2000x128xf32>
    %mul3A_38 = vector.broadcast %rsqrt3A : vector<2000x1xf32> to vector<2000x128xf32>
    %mul3A_39 = arith.mulf %mul3A_38, %dot_general3A_37 : vector<2000x128xf32>
    %swap3A = arith.constant 0 : index
    %swap3A_40 = arith.constant 0 : index
    %swap3A_41 = vector.load %arg7[%swap3A, %swap3A_40] : memref<2000x128xf32, #tpu.memory_space<vmem>>, vector<2000x128xf32>
    tpu.vector_store %arg7[%swap3A, %swap3A_40], %mul3A_39 {strides = array<i32>} : memref<2000x128xf32, #tpu.memory_space<vmem>>, vector<2000x128xf32>,
    return
  }
  func.func @transform_0(%arg0: i32) -> (i32, i32, i32) {
    %c0_i32 = arith.constant 0 : i32
    %c0_i32_0 = arith.constant 0 : i32
    %c0_i32_1 = arith.constant 0 : i32
    return %c0_i32, %arg0, %c0_i32_0 : i32, i32, i32
  }
  func.func @transform_1(%arg0: i32) -> (i32, i32) {
    %c0_i32 = arith.constant 0 : i32
    %c0_i32_0 = arith.constant 0 : i32
    return %arg0, %c0_i32 : i32, i32
  }
  func.func @transform_2(%arg0: i32) -> (i32, i32, i32) {
    %c0_i32 = arith.constant 0 : i32
    %c0_i32_0 = arith.constant 0 : i32
    %c0_i32_1 = arith.constant 0 : i32
    return %c0_i32, %arg0, %c0_i32_0 : i32, i32, i32
  }
  func.func @transform_3(%arg0: i32) -> (i32, i32) {
    %c0_i32 = arith.constant 0 : i32
    %c0_i32_0 = arith.constant 0 : i32
    %c0_i32_1 = arith.constant 0 : i32
    return %c0_i32, %c0_i32_0 : i32, i32
  }
  func.func @transform_4(%arg0: i32) -> (i32, i32) {
    %c0_i32 = arith.constant 0 : i32
    %c0_i32_0 = arith.constant 0 : i32
    %c0_i32_1 = arith.constant 0 : i32
    return %c0_i32, %c0_i32_0 : i32, i32
  }
  func.func @transform_5(%arg0: i32) -> (i32, i32) {
    %c0_i32 = arith.constant 0 : i32
    %c0_i32_0 = arith.constant 0 : i32
    %c0_i32_1 = arith.constant 0 : i32
    return %c0_i32, %c0_i32_0 : i32, i32
  }
  func.func @transform_6(%arg0: i32) -> (i32, i32) {
    %c0_i32 = arith.constant 0 : i32
    %c0_i32_0 = arith.constant 0 : i32
    return %arg0, %c0_i32 : i32, i32
  }
}

module attributes {stable_mosaic.version = 14 : i64} {
  func.func @body(%arg0: i32, %arg1: memref<2x2000x128xf32, #tpu.memory_space<vmem>>, %arg2: memref<2000x128xf32, #tpu.memory_space<vmem>>, %arg3: memref<2x2000x128xf32, #tpu.memory_space<vmem>>, %arg4: memref<1x128xf32, #tpu.memory_space<vmem>>, %arg5: memref<1x1x2000xi32, #tpu.memory_space<vmem>>, %arg6: memref<16x128xf32, #tpu.memory_space<vmem>>, %arg7: memref<16x128xf32, #tpu.memory_space<vmem>>, %arg8: memref<16x128xf32, #tpu.memory_space<vmem>>) attributes {dimension_semantics = [#tpu.dimension_semantics<arbitrary>], iteration_bounds = array<i64: 5>, scalar_prefetch = 0 : i64, scratch_operands = 2 : i64, tpu.core_type = #tpu.core_type<tc>, window_params = [{transform_indices = @transform_0, window_bounds = array<i64: 2, 2000, 128>}, {transform_indices = @transform_1, window_bounds = array<i64: 2000, 128>}, {transform_indices = @transform_2, window_bounds = array<i64: 2, 2000, 128>}, {pipeline_mode = #tpu.pipeline_mode<synchronous>, transform_indices = @transform_3, window_bounds = array<i64: 1, 128>}, {transform_indices = @transform_4, window_bounds = array<i64: 1, 1, 2000>}, {pipeline_mode = #tpu.pipeline_mode<synchronous>, transform_indices = @transform_5, window_bounds = array<i64: 16, 128>}]} {
    %eq3A = arith.constant 0 : i32
    %eq3A_0 = arith.cmpi eq, %arg0, %eq3A : i32
    %convert_element_type3A = arith.extui %eq3A_0 : i1 to i32
    %cond3A = arith.constant 0 : i32
    %cond3A_1 = arith.cmpi ne, %convert_element_type3A, %cond3A : i32
    scf.if %cond3A_1 {
      %broadcast_in_dim3A_62 = arith.constant 0.000000e+00 : f32
      %broadcast_in_dim3A_63 = vector.broadcast %broadcast_in_dim3A_62 : f32 to vector<16x128xf32>
      %swap3A_64 = arith.constant 0 : index
      %swap3A_65 = arith.constant 0 : index
      %swap3A_66 = vector.load %arg7[%swap3A_64, %swap3A_65] : memref<16x128xf32, #tpu.memory_space<vmem>>, vector<16x128xf32>
      tpu.vector_store %arg7[%swap3A_64, %swap3A_65], %broadcast_in_dim3A_63 {strides = array<i32>} : memref<16x128xf32, #tpu.memory_space<vmem>>, vector<16x128xf32>,
      %broadcast_in_dim3A_67 = arith.constant 0.000000e+00 : f32
      %broadcast_in_dim3A_68 = vector.broadcast %broadcast_in_dim3A_67 : f32 to vector<16x128xf32>
      %swap3A_69 = arith.constant 0 : index
      %swap3A_70 = arith.constant 0 : index
      %swap3A_71 = vector.load %arg8[%swap3A_69, %swap3A_70] : memref<16x128xf32, #tpu.memory_space<vmem>>, vector<16x128xf32>
      tpu.vector_store %arg8[%swap3A_69, %swap3A_70], %broadcast_in_dim3A_68 {strides = array<i32>} : memref<16x128xf32, #tpu.memory_space<vmem>>, vector<16x128xf32>,
    } else {
    }
    %get3A = arith.constant 0 : index
    %get3A_2 = arith.constant 0 : index
    %get3A_3 = arith.constant 0 : index
    %get3A_4 = vector.load %arg3[%get3A, %get3A_2, %get3A_3] : memref<2x2000x128xf32, #tpu.memory_space<vmem>>, vector<2x2000x128xf32>
    %slice3A = vector.extract_strided_slice %get3A_4 {offsets = [0, 0, 0], sizes = [1, 2000, 1], strides = [1, 1, 1]} : vector<2x2000x128xf32> to vector<1x2000x1xf32>
    %squeeze3A = vector.shape_cast %slice3A : vector<1x2000x1xf32> to vector<2000x1xf32>
    %slice3A_5 = vector.extract_strided_slice %get3A_4 {offsets = [1, 0, 0], sizes = [1, 2000, 1], strides = [1, 1, 1]} : vector<2x2000x128xf32> to vector<1x2000x1xf32>
    %squeeze3A_6 = vector.shape_cast %slice3A_5 : vector<1x2000x1xf32> to vector<2000x1xf32>
    %add3A = arith.addf %squeeze3A, %squeeze3A_6 : vector<2000x1xf32>
    %add3A_7 = arith.constant 1.000000e+00 : f32
    %add3A_8 = vector.broadcast %add3A_7 : f32 to vector<2000x1xf32>
    %add3A_9 = arith.addf %add3A, %add3A_8 : vector<2000x1xf32>
    %rsqrt3A = math.rsqrt %add3A_9 : vector<2000x1xf32>
    %get3A_10 = arith.constant 0 : index
    %get3A_11 = arith.constant 0 : index
    %get3A_12 = arith.constant 0 : index
    %get3A_13 = vector.load %arg1[%get3A_10, %get3A_11, %get3A_12] : memref<2x2000x128xf32, #tpu.memory_space<vmem>>, vector<2x2000x128xf32>
    %slice3A_14 = vector.extract_strided_slice %get3A_13 {offsets = [0, 0, 0], sizes = [1, 2000, 128], strides = [1, 1, 1]} : vector<2x2000x128xf32> to vector<1x2000x128xf32>
    %squeeze3A_15 = vector.shape_cast %slice3A_14 : vector<1x2000x128xf32> to vector<2000x128xf32>
    %slice3A_16 = vector.extract_strided_slice %get3A_13 {offsets = [1, 0, 0], sizes = [1, 2000, 128], strides = [1, 1, 1]} : vector<2x2000x128xf32> to vector<1x2000x128xf32>
    %squeeze3A_17 = vector.shape_cast %slice3A_16 : vector<1x2000x128xf32> to vector<2000x128xf32>
    %add3A_18 = arith.addf %squeeze3A_15, %squeeze3A_17 : vector<2000x128xf32>
    %get3A_19 = arith.constant 0 : index
    %get3A_20 = arith.constant 0 : index
    %get3A_21 = vector.load %arg2[%get3A_19, %get3A_20] : memref<2000x128xf32, #tpu.memory_space<vmem>>, vector<2000x128xf32>
    %add3A_22 = arith.addf %add3A_18, %get3A_21 : vector<2000x128xf32>
    %mul3A = vector.broadcast %rsqrt3A : vector<2000x1xf32> to vector<2000x128xf32>
    %mul3A_23 = arith.mulf %mul3A, %add3A_22 : vector<2000x128xf32>
    %get3A_24 = arith.constant 0 : index
    %get3A_25 = arith.constant 0 : index
    %get3A_26 = vector.load %arg4[%get3A_24, %get3A_25] : memref<1x128xf32, #tpu.memory_space<vmem>>, vector<1x128xf32>
    %add3A_27 = vector.broadcast %get3A_26 : vector<1x128xf32> to vector<2000x128xf32>
    %add3A_28 = arith.addf %mul3A_23, %add3A_27 : vector<2000x128xf32>
    %max3A = arith.constant 0.000000e+00 : f32
    %max3A_29 = vector.broadcast %max3A : f32 to vector<2000x128xf32>
    %max3A_30 = arith.maximumf %add3A_28, %max3A_29 : vector<2000x128xf32>
    %get3A_31 = arith.constant 0 : index
    %get3A_32 = arith.constant 0 : index
    %get3A_33 = arith.constant 0 : index
    %get3A_34 = vector.load %arg5[%get3A_31, %get3A_32, %get3A_33] : memref<1x1x2000xi32, #tpu.memory_space<vmem>>, vector<1x1x2000xi32>
    %reshape3A = vector.shape_cast %get3A_34 : vector<1x1x2000xi32> to vector<1x2000xi32>
    %iota3A = tpu.iota {dimensions = array<i32: 0>} : vector<16x2000xi32>
    %broadcast_in_dim3A = vector.shape_cast %reshape3A : vector<1x2000xi32> to vector<1x2000xi32>
    %broadcast_in_dim3A_35 = vector.broadcast %broadcast_in_dim3A : vector<1x2000xi32> to vector<16x2000xi32>
    %eq3A_36 = arith.cmpi eq, %broadcast_in_dim3A_35, %iota3A : vector<16x2000xi32>
    %convert_element_type3A_37 = arith.extui %eq3A_36 : vector<16x2000xi1> to vector<16x2000xi32>
    %convert_element_type3A_38 = arith.sitofp %convert_element_type3A_37 : vector<16x2000xi32> to vector<16x2000xf32>
    %get3A_39 = arith.constant 0 : index
    %get3A_40 = arith.constant 0 : index
    %get3A_41 = vector.load %arg7[%get3A_39, %get3A_40] : memref<16x128xf32, #tpu.memory_space<vmem>>, vector<16x128xf32>
    %dot_general3A = arith.constant dense<0.000000e+00> : vector<16x128xf32>
    %dot_general3A_42 = tpu.matmul %convert_element_type3A_38, %max3A_30, %dot_general3A {dimension_numbers = #tpu.dot_dimension_numbers<[1], [0], [0], [1], [0, 0, 1, 1], [], []>, transpose_lhs_hint = false} : vector<16x2000xf32>, vector<2000x128xf32>, vector<16x128xf32> -> vector<16x128xf32>
    %add3A_43 = arith.addf %get3A_41, %dot_general3A_42 : vector<16x128xf32>
    %swap3A = arith.constant 0 : index
    %swap3A_44 = arith.constant 0 : index
    %swap3A_45 = vector.load %arg7[%swap3A, %swap3A_44] : memref<16x128xf32, #tpu.memory_space<vmem>>, vector<16x128xf32>
    tpu.vector_store %arg7[%swap3A, %swap3A_44], %add3A_43 {strides = array<i32>} : memref<16x128xf32, #tpu.memory_space<vmem>>, vector<16x128xf32>,
    %get3A_46 = arith.constant 0 : index
    %get3A_47 = arith.constant 0 : index
    %get3A_48 = vector.load %arg8[%get3A_46, %get3A_47] : memref<16x128xf32, #tpu.memory_space<vmem>>, vector<16x128xf32>
    %reduce_sum3A = arith.constant dense<0.000000e+00> : vector<16xf32>
    %reduce_sum3A_49 = vector.multi_reduction <add>, %convert_element_type3A_38, %reduce_sum3A [1] : vector<16x2000xf32> to vector<16xf32>
    %broadcast_in_dim3A_50 = vector.shape_cast %reduce_sum3A_49 : vector<16xf32> to vector<16x1xf32>
    %broadcast_in_dim3A_51 = vector.shape_cast %broadcast_in_dim3A_50 : vector<16x1xf32> to vector<16x1xf32>
    %broadcast_in_dim3A_52 = vector.broadcast %broadcast_in_dim3A_51 : vector<16x1xf32> to vector<16x128xf32>
    %add3A_53 = arith.addf %get3A_48, %broadcast_in_dim3A_52 : vector<16x128xf32>
    %swap3A_54 = arith.constant 0 : index
    %swap3A_55 = arith.constant 0 : index
    %swap3A_56 = vector.load %arg8[%swap3A_54, %swap3A_55] : memref<16x128xf32, #tpu.memory_space<vmem>>, vector<16x128xf32>
    tpu.vector_store %arg8[%swap3A_54, %swap3A_55], %add3A_53 {strides = array<i32>} : memref<16x128xf32, #tpu.memory_space<vmem>>, vector<16x128xf32>,
    %eq3A_57 = arith.constant 4 : i32
    %eq3A_58 = arith.cmpi eq, %arg0, %eq3A_57 : i32
    %convert_element_type3A_59 = arith.extui %eq3A_58 : i1 to i32
    %cond3A_60 = arith.constant 0 : i32
    %cond3A_61 = arith.cmpi ne, %convert_element_type3A_59, %cond3A_60 : i32
    scf.if %cond3A_61 {
      %get3A_62 = arith.constant 0 : index
      %get3A_63 = arith.constant 0 : index
      %get3A_64 = vector.load %arg7[%get3A_62, %get3A_63] : memref<16x128xf32, #tpu.memory_space<vmem>>, vector<16x128xf32>
      %get3A_65 = arith.constant 0 : index
      %get3A_66 = arith.constant 0 : index
      %get3A_67 = vector.load %arg8[%get3A_65, %get3A_66] : memref<16x128xf32, #tpu.memory_space<vmem>>, vector<16x128xf32>
      %max3A_68 = arith.constant 1.000000e+00 : f32
      %max3A_69 = vector.broadcast %max3A_68 : f32 to vector<16x128xf32>
      %max3A_70 = arith.maximumf %get3A_67, %max3A_69 : vector<16x128xf32>
      %div3A = arith.divf %get3A_64, %max3A_70 : vector<16x128xf32>
      %swap3A_71 = arith.constant 0 : index
      %swap3A_72 = arith.constant 0 : index
      %swap3A_73 = vector.load %arg6[%swap3A_71, %swap3A_72] : memref<16x128xf32, #tpu.memory_space<vmem>>, vector<16x128xf32>
      tpu.vector_store %arg6[%swap3A_71, %swap3A_72], %div3A {strides = array<i32>} : memref<16x128xf32, #tpu.memory_space<vmem>>, vector<16x128xf32>,
    } else {
    }
    return
  }
  func.func @transform_0(%arg0: i32) -> (i32, i32, i32) {
    %c0_i32 = arith.constant 0 : i32
    %c0_i32_0 = arith.constant 0 : i32
    %c0_i32_1 = arith.constant 0 : i32
    return %c0_i32, %arg0, %c0_i32_0 : i32, i32, i32
  }
  func.func @transform_1(%arg0: i32) -> (i32, i32) {
    %c0_i32 = arith.constant 0 : i32
    %c0_i32_0 = arith.constant 0 : i32
    return %arg0, %c0_i32 : i32, i32
  }
  func.func @transform_2(%arg0: i32) -> (i32, i32, i32) {
    %c0_i32 = arith.constant 0 : i32
    %c0_i32_0 = arith.constant 0 : i32
    %c0_i32_1 = arith.constant 0 : i32
    return %c0_i32, %arg0, %c0_i32_0 : i32, i32, i32
  }
  func.func @transform_3(%arg0: i32) -> (i32, i32) {
    %c0_i32 = arith.constant 0 : i32
    %c0_i32_0 = arith.constant 0 : i32
    %c0_i32_1 = arith.constant 0 : i32
    return %c0_i32, %c0_i32_0 : i32, i32
  }
  func.func @transform_4(%arg0: i32) -> (i32, i32, i32) {
    %c0_i32 = arith.constant 0 : i32
    %c0_i32_0 = arith.constant 0 : i32
    %c0_i32_1 = arith.constant 0 : i32
    return %arg0, %c0_i32, %c0_i32_0 : i32, i32, i32
  }
  func.func @transform_5(%arg0: i32) -> (i32, i32) {
    %c0_i32 = arith.constant 0 : i32
    %c0_i32_0 = arith.constant 0 : i32
    %c0_i32_1 = arith.constant 0 : i32
    return %c0_i32, %c0_i32_0 : i32, i32
  }
}

</mosaic_0001>

<sc_bundles>
// kernel: kernel.11.cloned.1.call-start
scs
__scs_entry_jumppad:
0x0: {  	(pc) =	sbr.rel $0x88, $3  }
0x1: {  	(tag) =	ssettag $0x0;
	lr =	simm.s32 $0x1  }
0x2: {  	[smem:$0x3F9A] =	sst lr;
	_ =	strace $0xD0000000  }
0x3: {  	_ = 	snop  }
0x4: {  	_ = 	snop  }
0x5: {  	_ = 	snop  }
0x6: {  	_ = 	snop  }
0x7: {  	_ = 	snop  }
__scs_overlays_trampoline_lowered:
0x8: {  	[smem:$0x3FA9] =	sst s0  }
0x9: {  	[smem:$0x3FAA] =	sst s1  }
0xa: {  	[smem:$0x3FAB] =	sst s2  }
0xb: {  	[smem:$0x3FAC] =	sst s3  }
0xc: {  	[smem:$0x3FAD] =	sst s4  }
0xd: {  	[smem:$0x3FAE] =	sst s5  }
0xe: {  	[smem:$0x3FAF] =	sst s6  }
0xf: {  	[smem:$0x3FB0] =	sst s7  }
0x10: {  	[smem:$0x3FB1] =	sst s8  }
0x11: {  	[smem:$0x3FB2] =	sst s9;
	s0 =	simm.s32 @!p0 $0x0  }
0x12: {  	s1 =	sld [smem:$0x3F98];
	s0 =	simm.s32 @p0 $0x1  }
0x13: {  	[smem:$0x3FB3] =	sst s0;
	s0 =	simm.s32 @!p1 $0x0  }
0x14: {  	s2 =	sld [smem:$0x3F97];
	s0 =	simm.s32 @p1 $0x1  }
0x15: {  	[smem:$0x3FB4] =	sst s0;
	s0 =	simm.s32 @!p2 $0x0  }
0x16: {  	s3 =	sld [smem:$0x3FDB];
	s0 =	simm.s32 @p2 $0x1  }
0x17: {  	s4 =	simm.s32 $0x1BF5;
	[smem:$0x3FB6] =	sst s0  }
0x18: {  	s0 =	sld [smem:$0x3F99];
	_ =	swait.ge [sflag:s4], $0x0  }
0x19: {  	s7 =	sld [smem:$0x3F9A]  }
0x1a: {  	s8 =	sadd.s32 $0xFFFFE003, lr  }
0x1b: {  	s9 =	sadd.s32 $0xFFFFFEF7, lr;
	s5 =	simm.s32 $0xFFFFFFFF;
	p2 =	slt.u32 s8, $0xFFFFF086  }
0x1c: {  	p1 =	slt.u32 s9, $0xF7A;
	s5 =	simm.s32 @!p2 $0x0  }
0x1d: {  	s5 =	simm.s32 @p1 $0x1;
	p0 =	seq.s32 s7, s2  }
0x1e: {  	s7 =	smul.u32 @!p0 $0xF7A, s2;
	p2 =	seq.s32 @!p0 s5, $0x0  }
0x1f: {  	s9 =	smul.u32 $0xF7A, s1;
	s8 =	simm.s32 @!p0 $0x1BF5;
	p2 =	por !p2, p0  }
0x20: {  	[sflag:s8] =	ssyncset.s32 @!p0 $0xFFFFF086;
	s6 =	sadd.s32 @!p0 s3, s7;
	s7 =	simm.s32 @!p0 $0x108  }
0x21: {  	s3 =	sadd.s32 s3, s9;
	s6 =	sadd.s32 @!p0 $0x88, s6;
	s7 =	simm.s32 @p2 $0x1082  }
0x22: {  	[simem:s7], [sflag:s8] =	dma.local @!p0 [hbm:s6], $0xF7A  }
0x23: {  	s9 =	sor.u32 $0xD0000000, s2;
	s6 =	simm.s32 $0x108;
	_ =	swait.ge @!p0 [sflag:s8], $0x0  }
0x24: {  	s3 =	sadd.s32 $0x88, s3;
	s6 =	simm.s32 @!p1 $0x1082;
	[sflag:s4] =	ssyncset.s32 $0xFFFFF086  }
0x25: {  	[simem:s6], [sflag:s4] =	dma.local [hbm:s3], $0xF7A  }
0x26: {  	[smem:$0x3F9A] =	sst s1;
	(tag) =	ssettag s2;
	_ =	strace s9  }
0x27: {  	s1 =	sld [smem:$0x3FAA]  }
0x28: {  	s2 =	sld [smem:$0x3FAB]  }
0x29: {  	s4 =	sld [smem:$0x3FAD]  }
0x2a: {  	p0 =	seq.s32 s5, $0x0;
	s5 =	sld [smem:$0x3FAE]  }
0x2b: {  	s6 =	sld [smem:$0x3FAF]  }
0x2c: {  	s7 =	sld [smem:$0x3FB0]  }
0x2d: {  	s3 =	simm.s32 $0x108;
	s8 =	sld [smem:$0x3FB1]  }
0x2e: {  	s3 =	simm.s32 @!p0 $0x1082;
	s9 =	sld [smem:$0x3FB2]  }
0x2f: {  	lr =	sadd.s32 s0, s3;
	s0 =	sld [smem:$0x3FA9]  }
0x30: {  	s3 =	sld [smem:$0x3FAC]  }
0x31: {  	[smem:$0x3FB5] =	sst s10  }
0x32: {  	s10 =	sld [smem:$0x3FB3];
	_ =	sdelay $0x3  }
0x33: {  	p0 =	seq.s32 s10, $0x1;
	s10 =	sld [smem:$0x3FB5];
	_ =	sdelay $0x3  }
0x34: {  	[smem:$0x3FB5] =	sst s10  }
0x35: {  	s10 =	sld [smem:$0x3FB4];
	_ =	sdelay $0x3  }
0x36: {  	p1 =	seq.s32 s10, $0x1;
	s10 =	sld [smem:$0x3FB5];
	_ =	sdelay $0x3  }
0x37: {  	[smem:$0x3FB5] =	sst s10  }
0x38: {  	s10 =	sld [smem:$0x3FB6]  }
0x39: {  	_ = 	snop;
	(pc) =	sbr.ind lr, $3  }
0x3a: {  	_ = 	snop  }
0x3b: {  	_ = 	snop  }
0x3c: {  	p2 =	seq.s32 s10, $0x1;
	s10 =	sld [smem:$0x3FB5]  }
0x3d: {  	_ =	shalt  }
0x3e: {  	_ =	shalt  }
0x3f: {  	_ =	shalt  }
0x40: {  	_ =	shalt  }
0x41: {  	_ =	shalt  }
0x42: {  	_ =	shalt  }
0x43: {  	_ =	shalt  }
0x44: {  	_ =	shalt  }
0x45: {  	_ =	shalt  }
0x46: {  	_ =	shalt  }
0x47: {  	_ =	shalt  }
0x48: {  	_ =	shalt  }
0x49: {  	_ =	shalt  }
0x4a: {  	_ =	shalt  }
0x4b: {  	_ =	shalt  }
0x4c: {  	_ =	shalt  }
0x4d: {  	_ =	shalt  }
0x4e: {  	_ =	shalt  }
0x4f: {  	_ =	shalt  }
0x50: {  	_ =	shalt  }
0x51: {  	_ =	shalt  }
0x52: {  	_ =	shalt  }
0x53: {  	_ =	shalt  }
0x54: {  	_ =	shalt  }
0x55: {  	_ =	shalt  }
0x56: {  	_ =	shalt  }
0x57: {  	_ =	shalt  }
0x58: {  	_ =	shalt  }
0x59: {  	_ =	shalt  }
0x5a: {  	_ =	shalt  }
0x5b: {  	_ =	shalt  }
0x5c: {  	_ =	shalt  }
0x5d: {  	_ =	shalt  }
0x5e: {  	_ =	shalt  }
0x5f: {  	_ =	shalt  }
0x60: {  	_ =	shalt  }
0x61: {  	_ =	shalt  }
0x62: {  	_ =	shalt  }
0x63: {  	_ =	shalt  }
0x64: {  	_ =	shalt  }
0x65: {  	_ =	shalt  }
0x66: {  	_ =	shalt  }
0x67: {  	_ =	shalt  }
0x68: {  	_ =	shalt  }
0x69: {  	_ =	shalt  }
0x6a: {  	_ =	shalt  }
0x6b: {  	_ =	shalt  }
0x6c: {  	_ =	shalt  }
0x6d: {  	_ =	shalt  }
0x6e: {  	_ =	shalt  }
0x6f: {  	_ =	shalt  }
0x70: {  	_ =	shalt  }
0x71: {  	_ =	shalt  }
0x72: {  	_ =	shalt  }
0x73: {  	_ =	shalt  }
0x74: {  	_ =	shalt  }
0x75: {  	_ =	shalt  }
0x76: {  	_ =	shalt  }
0x77: {  	_ =	shalt  }
0x78: {  	_ =	shalt  }
0x79: {  	_ =	shalt  }
0x7a: {  	_ =	shalt  }
0x7b: {  	_ =	shalt  }
0x7c: {  	_ =	shalt  }
0x7d: {  	_ =	shalt  }
0x7e: {  	_ =	shalt  }
0x7f: {  	_ =	shalt  }
0x80: {  	_ =	shalt  }
0x81: {  	_ =	shalt  }
0x82: {  	_ =	shalt  }
0x83: {  	_ =	shalt  }
0x84: {  	_ =	shalt  }
0x85: {  	_ =	shalt  }
0x86: {  	_ =	shalt  }
0x87: {  	_ =	shalt  }
.Lfunc_end0:
.L_simem_size_0:
called_computation.1_lowered:
.L_overlay_start_0:
0x88: {  	s2 =	sld [smem:$0x3FD9]  }
0x89: {  	s3 =	sld [smem:$0x3FFE];
	_ =	sdelay $0x1  }
0x8a: {  	s1 =	srdreg.scid  }
0x8b: {  	s0 =	sand.u32 $0x1, s1  }
0x8c: {  	s16 =	sshll.u32 s0, $0xA;
	s2 =	sadd.s32 s3, s2  }
0x8d: {  	s2 =	sadd.s32 s2, s16  }
0x8e: {  	[smem:$0x3FC1] =	sst s2  }
0x8f: {  	_ = 	snop  }
0x90: {  	(tm) =	ssettm $0x1  }
0x91: {  	s17 =	sld [smem:$0x3FFB];
	_ =	sdelay $0x3  }
0x92: {  	_ =	strace s17  }
0x93: {  	s2 =	sld [smem:$0x3FFC];
	_ =	sdelay $0x3  }
0x94: {  	_ =	strace s2  }
0x95: {  	s2 =	sld [smem:$0x3FFD];
	_ =	sdelay $0x3  }
0x96: {  	_ =	strace s2  }
0x97: {  	_ =	strace $0x8FFFFFFF  }
0x98: {  	s18 =	sld [smem:$0x3FDB];
	_ =	sdelay $0x1  }
0x99: {  	s19 =	simm.s32 $_scs_section_size  }
0x9a: {  	s4 =	simm.s32 $_size__tile_overlayer_lowered;
	s5 =	simm.s32 $_tile_overlayer_lowered  }
0x9b: {  	s22 =	simm.s32 $0x1BFF;
	s21 =	sshll.u32 s5, $0x1;
	s2 =	sadd.s32 s19, s18  }
0x9c: {  	s6 =	simm.s32 $0x0;
	s20 =	sshll.u32 s4, $0x1;
	s4 =	sadd.s32 s21, s2  }
0x9d: {  	[timem:s6], [sflag:s22] =	dma.local [hbm:s4], s20  }
0x9e: {  	_ =	swait.ge [sflag:s22], s20  }
0x9f: {  	s3 =	ssub.s32 $0x0, s20;
	[sflag:s22] =	ssyncset.done $0x0  }
0xa0: {  	[sflag:s22] =	ssyncadd.s32 s3;
	_ =	sdelay $0x1  }
0xa1: {  	s23 =	simm.s32 $0x1B8B  }
0xa2: {  	_ =	swait.ge [sflag:s23], $0x1  }
0xa3: {  	[sflag:s23] =	ssyncset.done $0x0  }
0xa4: {  	s25 =	simm.s32 $0x1B8E;
	s24 =	sld [smem:$0x3FFE];
	[sflag:s23] =	ssyncadd.s32 $0xFFFFFFFF  }
0xa5: {  	s26 =	simm.s32 $execute0_lowered;
	[smem:$0x3FD2] =	sst s25  }
0xa6: {  	s4 =	sshll.u32 s26, $0x1;
	_ =	strace $0x80000049;
	[dreg:$0x1] =	wrdreg $0xFFFFFFFF  }
0xa7: {  	s28 =	simm.s32 $_size_execute0_lowered;
	s2 =	sadd.s32 s2, s4;
	[dreg:$0x0] =	wrdreg $0x0  }
0xa8: {  	s4 =	sshll.u32 s28, $0x1;
	[dreg:$0x2] =	wrdreg s2  }
0xa9: {  	[dreg:$0x3] =	wrdreg s4  }
0xaa: {  	[dreg:$0x4] =	wrdreg $0xC0  }
0xab: {  	_ =	task [dreg:s6], $0x5FFFF  }
0xac: {  	[dreg:$0x1] =	wrdreg $0xFFFFFFFF  }
0xad: {  	[dreg:$0x0] =	wrdreg $0x60  }
0xae: {  	[dreg:$0x2] =	wrdreg s24  }
0xaf: {  	[dreg:$0x3] =	wrdreg $0xA8000  }
0xb0: {  	[dreg:$0x4] =	wrdreg $0x9  }
0xb1: {  	_ =	task.clear_ibuf [dreg:s6], $0x5FFFF;
	_ =	strace $0x90000049  }
0xb2: {  	s29 =	simm.s32 $0x9;
	_ =	strace $0x8000004B  }
0xb3: {  	_ =	swait.ge [sflag:s29], $0x1  }
0xb4: {  	[sflag:s29] =	ssyncadd.s32 $0xFFFFFFFF  }
0xb5: {  	_ =	strace $0x9000004B  }
0xb6: {  	_ =	sfence  }
0xb7: {  	s30 =	sld [smem:$0x0];
	_ =	sdelay $0x2  }
0xb8: {  	s31 =	sshll.u32 s1, $0xD;
	s1 =	sshrl.u32 s1, $0x2  }
0xb9: {  	s3 =	sand.u32 $0x4000, s31;
	s1 =	sadd.s32 s1, s30  }
0xba: {  	s0 =	sor.u32 s3, s0;
	s1 =	sshll.u32 s1, $0x11  }
0xbb: {  	s0 =	sor.u32 s1, s0  }
0xbc: {  	s0 =	sadd.s32 $0x8F2B, s0  }
0xbd: {  	[sflag:s0] =	ssyncadd.remote.s32 $0x1  }
0xbe: {  	_ =	sfence.sel $0xFFFF  }
0xbf: {  	[dreg:$0x0] =	wrdreg $0xFFFFFFFF;
	(pc) =	sbr.abs _section_cstart, $3  }
0xc0: {  	[dreg:$0x1] =	wrdreg $0xFFFFFFFF  }
0xc1: {  	_ =	task.clear_ibuf [dreg:s6], $0x2FFFF;
	_ =	strace $0x9FFFFFFF  }
0xc2: {  	(tm) =	ssettm $0x7FFFFFFF  }
0xc3: {  	_ =	shalt  }
tec
execute0_lowered:
.L_overlay_start_1:
0x0: {  	(tag) =	ssettag $0x1  }
0x1: {  	s0 =	rddreg [dreg:$0x0];
	s2 =	srdreg.scid  }
0x2: {  	s1 =	rddreg [dreg:$0x1];
	s11 =	stileid.u32  }
0x3: {  	s3 =	simm.s32 $0x0;
	s12 =	simm.s32 $0x1400;
	s13 =	simm.s32 $0x40  }
0x4: {  	s14 =	simm.s32 $0x2800;
	s15 =	simm.s32 $0x80;
	s16 =	simm.s32 $0x4800  }
0x5: {  	s17 =	simm.s32 $0x100;
	s18 =	simm.s32 $0x6800;
	s19 =	simm.s32 $0x1  }
0x6: {  	s20 =	simm.s32 $0x8800;
	s21 =	simm.s32 $0x2;
	s22 =	simm.s32 $0x3  }
0x7: {  	s23 =	simm.s32 $0x4;
	s28 =	simm.s32 $0x2680;
	s29 =	simm.s32 $0x2700  }
0x8: {  	s30 =	simm.s32 $0x2780;
	s2 =	sand.u32 $0x1, s2;
	s6 =	smul.u32 $0x13C00, s11  }
0x9: {  	[smem:$0x7FF] =	sst s3;
	s4 =	sadd.s32 $0xA1800, s0;
	s24 =	sadd.s32 $0x2AC00, s0  }
0xa: {  	s8 =	smul.u32 $0x4F000, s11;
	s10 =	sshll.u32 s11, $0x2;
	p0 =	sne.s32 s11, $0x0  }
0xb: {  	s11 =	simm.s32 $0x5;
	s5 =	smul.u32 $0x13C000, s2;
	_ =	strace $0x8000004A  }
0xc: {  	[dreg:$0x3] =	wrdreg s24;
	s25 =	ssub.s32 $0x2, s2;
	s2 =	sshll.u32 s2, $0x6  }
0xd: {  	s24 =	simm.s32 $0x2600;
	s9 =	sshrl.u32 s25, $0x1;
	s26 =	sshrl.u32 s8, $0x2  }
0xe: {  	s7 =	sadd.s32 s6, s5;
	s5 =	sadd.s32 $0x2C00, s0;
	s9 =	ssub.s32 s25, s9  }
0xf: {  	s31 =	sadd.s32 s26, s1;
	s26 =	simm.s32 $0x1380;
	s7 =	sshrl.u32 s7, $0x3  }
0x10: {  	s9 =	smax.u32 s9, $0x1;
	s25 =	sshrl.u32 s31, $0x3;
	s0 =	sadd.s32 s7, s0  }
0x11: {  	s7 =	sor.u32 s10, s2;
	s10 =	sshrl.u32 @!p0 s1, $0x3;
	s8 =	sadd.s32 $0xC8A00, s0  }
.LBB2_1:
0x12: {  	s0 =	simm.s32 @!p0 $0x1C05;
	s2 =	rddreg [dreg:$0x3]  }
0x13: {  	[spmem:s10], [sflag:s0] =	dma.local @!p0 [hbm:s2], $0x27800  }
0x14: {  	s0 =	simm.s32 @!p0 $0x5  }
0x15: {  	_ =	swait.ge @!p0 [sflag:s0], $0x27800  }
0x16: {  	[sflag:s0] =	ssyncset.done @!p0 $0x0  }
0x17: {  	[sflag:s0] =	ssyncadd.s32 @!p0 $0xFFFD8800  }
0x18: {  	s31 =	simm.s32 $0x0;
	[bflag:$0x0] =	sbarrier.arrive $0xFFFF  }
.LBB2_2:
0x19: {  	s0 =	sadd.s32 s7, s31  }
0x1a: {  	s0 =	smul.u32 $0x1400, s0;
	_ =	sdelay $0x1  }
0x1b: {  	s0 =	sshrl.u32 s0, $0x3  }
0x1c: {  	s2 =	simm.s32 $0x0;
	s0 =	sadd.s32 s5, s0  }
0x1d: {  	[tilespmem:s2], [sflag:$0x5] =	stream.linear.gather [hbm4b:s0+s2], $0x1400, $0x38;
	[tilespmem:$0x1E400] =	vst v63  }
0x1e: {  	_ =	swait.ge [sflag:s11], $0x1400  }
0x1f: {  	[sflag:s11] =	ssyncset.done $0x0  }
0x20: {  	s0 =	sadd.s32 $0x14000, s0;
	[sflag:s11] =	ssyncadd.s32 $0xFFFFEC00  }
0x21: {  	[tilespmem:s12], [sflag:$0x5] =	stream.linear.gather [hbm4b:s0+s2], $0x1400, $0x38;
	[tilespmem:$0x1E400] =	vst v63  }
0x22: {  	_ =	swait.ge [sflag:s11], $0x1400  }
0x23: {  	[sflag:s11] =	ssyncset.done $0x0  }
0x24: {  	[sflag:s11] =	ssyncadd.s32 $0xFFFFEC00  }
0x25: {  	[tilespmem:s14], [sflag:$0x1] =	stream.indirect.gather [hbm4b:s4+s13], $0x80, s2, s13, $0xb8;
	[tilespmem:$0x1E400] =	vst v63  }
0x26: {  	_ = 	snop  }
0x27: {  	[tilespmem:s16], [sflag:$0x2] =	stream.indirect.gather [hbm4b:s4+s13], $0x80, s15, s13, $0xb8;
	[tilespmem:$0x1E400] =	vst v63  }
0x28: {  	_ = 	snop  }
0x29: {  	[tilespmem:s18], [sflag:$0x3] =	stream.indirect.gather [hbm4b:s4+s13], $0x80, s17, s13, $0xb8;
	[tilespmem:$0x1E400] =	vst v63  }
0x2a: {  	_ =	swait.ge [sflag:s19], $0x2000  }
0x2b: {  	[sflag:s19] =	ssyncset.done $0x0  }
0x2c: {  	s6 =	simm.s32 $0x1400;
	[sflag:s19] =	ssyncadd.s32 $0xFFFFE000  }
0x2d: {  	[spmem:s1] =	stream.indirect.scatter.add.f32 [tilespmem:s14], [sflag:$0x5], $0x80, s6, s13, $0xb8;
	[tilespmem:$0x1E400] =	vst v63  }
0x2e: {  	_ =	swait.ge [sflag:s11], $0x2000  }
0x2f: {  	[sflag:s11] =	ssyncset.done $0x0  }
0x30: {  	s2 =	simm.s32 $0x180;
	[sflag:s11] =	ssyncadd.s32 $0xFFFFE000  }
0x31: {  	[tilespmem:s20], [sflag:$0x4] =	stream.indirect.gather [hbm4b:s4+s13], $0x80, s2, s13, $0xb8;
	[tilespmem:$0x1E400] =	vst v63  }
0x32: {  	_ =	swait.ge [sflag:s21], $0x2000  }
0x33: {  	[sflag:s21] =	ssyncset.done $0x0  }
0x34: {  	s6 =	simm.s32 $0x1480;
	[sflag:s21] =	ssyncadd.s32 $0xFFFFE000  }
0x35: {  	[spmem:s1] =	stream.indirect.scatter.add.f32 [tilespmem:s16], [sflag:$0x5], $0x80, s6, s13, $0xb8;
	[tilespmem:$0x1E400] =	vst v63  }
0x36: {  	_ =	swait.ge [sflag:s11], $0x2000  }
0x37: {  	[sflag:s11] =	ssyncset.done $0x0  }
0x38: {  	s2 =	simm.s32 $0x200;
	[sflag:s11] =	ssyncadd.s32 $0xFFFFE000  }
0x39: {  	[tilespmem:s14], [sflag:$0x1] =	stream.indirect.gather [hbm4b:s4+s13], $0x80, s2, s13, $0xb8;
	[tilespmem:$0x1E400] =	vst v63  }
0x3a: {  	_ =	swait.ge [sflag:s22], $0x2000  }
0x3b: {  	[sflag:s22] =	ssyncset.done $0x0  }
0x3c: {  	s6 =	simm.s32 $0x1500;
	[sflag:s22] =	ssyncadd.s32 $0xFFFFE000  }
0x3d: {  	[spmem:s1] =	stream.indirect.scatter.add.f32 [tilespmem:s18], [sflag:$0x5], $0x80, s6, s13, $0xb8;
	[tilespmem:$0x1E400] =	vst v63  }
0x3e: {  	_ =	swait.ge [sflag:s11], $0x2000  }
0x3f: {  	[sflag:s11] =	ssyncset.done $0x0  }
0x40: {  	s2 =	simm.s32 $0x280;
	[sflag:s11] =	ssyncadd.s32 $0xFFFFE000  }
0x41: {  	[tilespmem:s16], [sflag:$0x2] =	stream.indirect.gather [hbm4b:s4+s13], $0x80, s2, s13, $0xb8;
	[tilespmem:$0x1E400] =	vst v63  }
0x42: {  	_ =	swait.ge [sflag:s23], $0x2000  }
0x43: {  	[sflag:s23] =	ssyncset.done $0x0  }
0x44: {  	s6 =	simm.s32 $0x1580;
	[sflag:s23] =	ssyncadd.s32 $0xFFFFE000  }
0x45: {  	[spmem:s1] =	stream.indirect.scatter.add.f32 [tilespmem:s20], [sflag:$0x5], $0x80, s6, s13, $0xb8;
	[tilespmem:$0x1E400] =	vst v63  }
0x46: {  	_ =	swait.ge [sflag:s11], $0x2000  }
0x47: {  	[sflag:s11] =	ssyncset.done $0x0  }
0x48: {  	s0 =	simm.s32 $0x800;
	s2 =	simm.s32 $0x300;
	[sflag:s11] =	ssyncadd.s32 $0xFFFFE000  }
.LBB2_3:
0x49: {  	[tilespmem:s18], [sflag:$0x3] =	stream.indirect.gather [hbm4b:s4+s13], $0x80, s2, s13, $0xb8;
	[tilespmem:$0x1E400] =	vst v63  }
0x4a: {  	s2 =	smov.u32 s0  }
0x4b: {  	p1 =	sne.s32 s0, $0x4000;
	s0 =	sadd.s32 $0x800, s0;
	_ =	swait.ge [sflag:s19], $0x2000  }
0x4c: {  	s2 =	sshra.s32 s2, $0x2;
	[sflag:s19] =	ssyncset.done $0x0  }
0x4d: {  	s6 =	sadd.s32 $0x1400, s2;
	[sflag:s19] =	ssyncadd.s32 $0xFFFFE000  }
0x4e: {  	[spmem:s1] =	stream.indirect.scatter.add.f32 [tilespmem:s14], [sflag:$0x5], $0x80, s6, s13, $0xb8;
	[tilespmem:$0x1E400] =	vst v63  }
0x4f: {  	_ =	swait.ge [sflag:s11], $0x2000  }
0x50: {  	[sflag:s11] =	ssyncset.done $0x0  }
0x51: {  	s6 =	sadd.s32 $0x180, s2;
	[sflag:s11] =	ssyncadd.s32 $0xFFFFE000  }
0x52: {  	[tilespmem:s20], [sflag:$0x4] =	stream.indirect.gather [hbm4b:s4+s13], $0x80, s6, s13, $0xb8;
	[tilespmem:$0x1E400] =	vst v63  }
0x53: {  	_ =	swait.ge [sflag:s21], $0x2000  }
0x54: {  	[sflag:s21] =	ssyncset.done $0x0  }
0x55: {  	s6 =	sadd.s32 $0x1480, s2;
	[sflag:s21] =	ssyncadd.s32 $0xFFFFE000  }
0x56: {  	[spmem:s1] =	stream.indirect.scatter.add.f32 [tilespmem:s16], [sflag:$0x5], $0x80, s6, s13, $0xb8;
	[tilespmem:$0x1E400] =	vst v63  }
0x57: {  	_ =	swait.ge [sflag:s11], $0x2000  }
0x58: {  	[sflag:s11] =	ssyncset.done $0x0  }
0x59: {  	s6 =	sadd.s32 $0x200, s2;
	[sflag:s11] =	ssyncadd.s32 $0xFFFFE000  }
0x5a: {  	[tilespmem:s14], [sflag:$0x1] =	stream.indirect.gather [hbm4b:s4+s13], $0x80, s6, s13, $0xb8;
	[tilespmem:$0x1E400] =	vst v63  }
0x5b: {  	_ =	swait.ge [sflag:s22], $0x2000  }
0x5c: {  	[sflag:s22] =	ssyncset.done $0x0  }
0x5d: {  	s6 =	sadd.s32 $0x1500, s2;
	[sflag:s22] =	ssyncadd.s32 $0xFFFFE000  }
0x5e: {  	[spmem:s1] =	stream.indirect.scatter.add.f32 [tilespmem:s18], [sflag:$0x5], $0x80, s6, s13, $0xb8;
	[tilespmem:$0x1E400] =	vst v63  }
0x5f: {  	_ =	swait.ge [sflag:s11], $0x2000  }
0x60: {  	[sflag:s11] =	ssyncset.done $0x0  }
0x61: {  	s6 =	sadd.s32 $0x280, s2;
	[sflag:s11] =	ssyncadd.s32 $0xFFFFE000  }
0x62: {  	[tilespmem:s16], [sflag:$0x2] =	stream.indirect.gather [hbm4b:s4+s13], $0x80, s6, s13, $0xb8;
	[tilespmem:$0x1E400] =	vst v63  }
0x63: {  	_ =	swait.ge [sflag:s23], $0x2000  }
0x64: {  	[sflag:s23] =	ssyncset.done $0x0  }
.Ltmp0:
0x65: {  	s6 =	sadd.s32 $0x1580, s2;
	[sflag:s23] =	ssyncadd.s32 $0xFFFFE000;
	(pc) =	sbr.rel @p1 .LBB2_3-.Ltmp0, $4  }
0x66: {  	[spmem:s1] =	stream.indirect.scatter.add.f32 [tilespmem:s20], [sflag:$0x5], $0x80, s6, s13, $0xb8;
	[tilespmem:$0x1E400] =	vst v63  }
0x67: {  	_ =	swait.ge [sflag:s11], $0x2000  }
0x68: {  	[sflag:s11] =	ssyncset.done $0x0  }
0x69: {  	s2 =	sadd.s32 $0x300, s2;
	[sflag:s11] =	ssyncadd.s32 $0xFFFFE000  }
0x6a: {  	[tilespmem:s18], [sflag:$0x3] =	stream.indirect.gather [hbm4b:s4+s13], $0x80, s2, s13, $0xb8;
	[tilespmem:$0x1E400] =	vst v63  }
0x6b: {  	_ =	swait.ge [sflag:s19], $0x2000  }
0x6c: {  	[sflag:s19] =	ssyncset.done $0x0  }
0x6d: {  	[sflag:s19] =	ssyncadd.s32 $0xFFFFE000  }
0x6e: {  	[spmem:s1] =	stream.indirect.scatter.add.f32 [tilespmem:s14], [sflag:$0x5], $0x80, s24, s13, $0xb8;
	[tilespmem:$0x1E400] =	vst v63  }
0x6f: {  	_ =	swait.ge [sflag:s11], $0x2000  }
0x70: {  	[sflag:s11] =	ssyncset.done $0x0  }
0x71: {  	[sflag:s11] =	ssyncadd.s32 $0xFFFFE000  }
0x72: {  	[tilespmem:s20], [sflag:$0x4] =	stream.indirect.gather [hbm4b:s4+s13], $0x80, s26, s13, $0xb8;
	[tilespmem:$0x1E400] =	vst v63  }
0x73: {  	_ =	swait.ge [sflag:s21], $0x2000  }
0x74: {  	[sflag:s21] =	ssyncset.done $0x0  }
0x75: {  	[sflag:s21] =	ssyncadd.s32 $0xFFFFE000  }
0x76: {  	[spmem:s1] =	stream.indirect.scatter.add.f32 [tilespmem:s16], [sflag:$0x5], $0x80, s28, s13, $0xb8;
	[tilespmem:$0x1E400] =	vst v63  }
0x77: {  	_ =	swait.ge [sflag:s11], $0x2000  }
0x78: {  	[sflag:s11] =	ssyncset.done $0x0  }
0x79: {  	[sflag:s11] =	ssyncadd.s32 $0xFFFFE000  }
0x7a: {  	_ =	swait.ge [sflag:s22], $0x2000  }
0x7b: {  	[sflag:s22] =	ssyncset.done $0x0  }
0x7c: {  	[sflag:s22] =	ssyncadd.s32 $0xFFFFE000  }
0x7d: {  	[spmem:s1] =	stream.indirect.scatter.add.f32 [tilespmem:s18], [sflag:$0x5], $0x80, s29, s13, $0xb8;
	[tilespmem:$0x1E400] =	vst v63  }
0x7e: {  	_ =	swait.ge [sflag:s11], $0x2000  }
0x7f: {  	[sflag:s11] =	ssyncset.done $0x0  }
0x80: {  	[sflag:s11] =	ssyncadd.s32 $0xFFFFE000  }
0x81: {  	s31 =	sadd.s32 $0x1, s31;
	_ =	swait.ge [sflag:s23], $0x2000  }
0x82: {  	p1 =	sne.s32 s31, $0x4;
	[sflag:s23] =	ssyncset.done $0x0  }
.Ltmp1:
0x83: {  	[sflag:s23] =	ssyncadd.s32 $0xFFFFE000;
	(pc) =	sbr.rel @p1 .LBB2_2-.Ltmp1, $4  }
0x84: {  	[spmem:s1] =	stream.indirect.scatter.add.f32 [tilespmem:s20], [sflag:$0x5], $0x80, s30, s13, $0xb8;
	[tilespmem:$0x1E400] =	vst v63  }
0x85: {  	_ =	swait.ge [sflag:s11], $0x2000  }
0x86: {  	[sflag:s11] =	ssyncset.done $0x0  }
0x87: {  	[sflag:s11] =	ssyncadd.s32 $0xFFFFE000  }
0x88: {  	s0 =	stileid.u32;
	s3 =	sadd.s32 $0x1, s3  }
0x89: {  	s0 =	sshll.u32 s0, $0x6;
	p1 =	sne.s32 s3, s9  }
.Ltmp2:
0x8a: {  	[bflag:$0x0] =	sbarrier.arrive $0xFFFF;
	s0 =	sor.u32 $0x1C05, s0;
	(pc) =	sbr.rel @p1 .LBB2_1-.Ltmp2, $4  }
0x8b: {  	[hbm:s8], [sflag:s0] =	dma.local [spmem:s25], $0x2780  }
0x8c: {  	_ =	swait.ge [sflag:s11], $0x2780  }
0x8d: {  	[sflag:s11] =	ssyncset.done $0x0  }
0x8e: {  	[sflag:s11] =	ssyncadd.s32 $0xFFFFD880  }
0x8f: {  	_ =	sfence.sel $0x180000  }
0x90: {  	[bflag:$0x0] =	sbarrier.arrive $0xFFFF  }
0x91: {  	_ =	strace $0x9000004A  }
0x92: {  	[bflag:$0x2] =	sbarrier.arrive $0xFFFF  }
0x93: {  	s0 =	rddreg [dreg:$0x2]  }
0x94: {  	s0 =	sadd.s32 @!p0 $0x100000, s0  }
0x95: {  	[sflag:s0] =	ssyncadd.tile.s32 @!p0 $0x1;
	_ =	shalt  }
.Lfunc_end2:
_tile_overlayer_lowered:
.L_overlay_start_2:
0x96: {  	(tag) =	ssettag $0x2  }
0x97: {  	s0 =	rddreg [dreg:$0x0];
	s2 =	stileid.u32  }
0x98: {  	s1 =	rddreg [dreg:$0x1];
	p0 =	sne.s32 s2, $0x0  }
0x99: {  	s3 =	rddreg [dreg:$0x2];
	[bflag:$0x3] =	sbarrier.arrive $0xFFFF;
	s2 =	simm.s32 @!p0 $0x1C05  }
0x9a: {  	[timem:s3], [sflag:s2] =	dma.local @!p0 [hbm:s0], s1  }
0x9b: {  	s0 =	simm.s32 @!p0 $0x5  }
0x9c: {  	_ =	swait.ge @!p0 [sflag:s0], s1  }
0x9d: {  	s1 =	ssub.s32 @!p0 $0x0, s1;
	[sflag:s0] =	ssyncset.done @!p0 $0x0  }
0x9e: {  	[sflag:s0] =	ssyncadd.s32 @!p0 s1  }
0x9f: {  	[bflag:$0x3] =	sbarrier.arrive $0xFFFF  }
0xa0: {  	_ =	shalt  }

// kernel: kernel.14.cloned.1.call-start
scs
__scs_entry_jumppad:
0x0: {  	(pc) =	sbr.rel $0x88, $3  }
0x1: {  	(tag) =	ssettag $0x0;
	lr =	simm.s32 $0x1  }
0x2: {  	[smem:$0x3F9A] =	sst lr;
	_ =	strace $0xD0000000  }
0x3: {  	_ = 	snop  }
0x4: {  	_ = 	snop  }
0x5: {  	_ = 	snop  }
0x6: {  	_ = 	snop  }
0x7: {  	_ = 	snop  }
__scs_overlays_trampoline_lowered:
0x8: {  	[smem:$0x3FA9] =	sst s0  }
0x9: {  	[smem:$0x3FAA] =	sst s1  }
0xa: {  	[smem:$0x3FAB] =	sst s2  }
0xb: {  	[smem:$0x3FAC] =	sst s3  }
0xc: {  	[smem:$0x3FAD] =	sst s4  }
0xd: {  	[smem:$0x3FAE] =	sst s5  }
0xe: {  	[smem:$0x3FAF] =	sst s6  }
0xf: {  	[smem:$0x3FB0] =	sst s7  }
0x10: {  	[smem:$0x3FB1] =	sst s8  }
0x11: {  	[smem:$0x3FB2] =	sst s9;
	s0 =	simm.s32 @!p0 $0x0  }
0x12: {  	s1 =	sld [smem:$0x3F98];
	s0 =	simm.s32 @p0 $0x1  }
0x13: {  	[smem:$0x3FB3] =	sst s0;
	s0 =	simm.s32 @!p1 $0x0  }
0x14: {  	s2 =	sld [smem:$0x3F97];
	s0 =	simm.s32 @p1 $0x1  }
0x15: {  	[smem:$0x3FB4] =	sst s0;
	s0 =	simm.s32 @!p2 $0x0  }
0x16: {  	s3 =	sld [smem:$0x3FDB];
	s0 =	simm.s32 @p2 $0x1  }
0x17: {  	s4 =	simm.s32 $0x1BF5;
	[smem:$0x3FB6] =	sst s0  }
0x18: {  	s0 =	sld [smem:$0x3F99];
	_ =	swait.ge [sflag:s4], $0x0  }
0x19: {  	s7 =	sld [smem:$0x3F9A]  }
0x1a: {  	s8 =	sadd.s32 $0xFFFFE003, lr  }
0x1b: {  	s9 =	sadd.s32 $0xFFFFFEF7, lr;
	s5 =	simm.s32 $0xFFFFFFFF;
	p2 =	slt.u32 s8, $0xFFFFF086  }
0x1c: {  	p1 =	slt.u32 s9, $0xF7A;
	s5 =	simm.s32 @!p2 $0x0  }
0x1d: {  	s5 =	simm.s32 @p1 $0x1;
	p0 =	seq.s32 s7, s2  }
0x1e: {  	s7 =	smul.u32 @!p0 $0xF7A, s2;
	p2 =	seq.s32 @!p0 s5, $0x0  }
0x1f: {  	s9 =	smul.u32 $0xF7A, s1;
	s8 =	simm.s32 @!p0 $0x1BF5;
	p2 =	por !p2, p0  }
0x20: {  	[sflag:s8] =	ssyncset.s32 @!p0 $0xFFFFF086;
	s6 =	sadd.s32 @!p0 s3, s7;
	s7 =	simm.s32 @!p0 $0x108  }
0x21: {  	s3 =	sadd.s32 s3, s9;
	s6 =	sadd.s32 @!p0 $0x88, s6;
	s7 =	simm.s32 @p2 $0x1082  }
0x22: {  	[simem:s7], [sflag:s8] =	dma.local @!p0 [hbm:s6], $0xF7A  }
0x23: {  	s9 =	sor.u32 $0xD0000000, s2;
	s6 =	simm.s32 $0x108;
	_ =	swait.ge @!p0 [sflag:s8], $0x0  }
0x24: {  	s3 =	sadd.s32 $0x88, s3;
	s6 =	simm.s32 @!p1 $0x1082;
	[sflag:s4] =	ssyncset.s32 $0xFFFFF086  }
0x25: {  	[simem:s6], [sflag:s4] =	dma.local [hbm:s3], $0xF7A  }
0x26: {  	[smem:$0x3F9A] =	sst s1;
	(tag) =	ssettag s2;
	_ =	strace s9  }
0x27: {  	s1 =	sld [smem:$0x3FAA]  }
0x28: {  	s2 =	sld [smem:$0x3FAB]  }
0x29: {  	s4 =	sld [smem:$0x3FAD]  }
0x2a: {  	p0 =	seq.s32 s5, $0x0;
	s5 =	sld [smem:$0x3FAE]  }
0x2b: {  	s6 =	sld [smem:$0x3FAF]  }
0x2c: {  	s7 =	sld [smem:$0x3FB0]  }
0x2d: {  	s3 =	simm.s32 $0x108;
	s8 =	sld [smem:$0x3FB1]  }
0x2e: {  	s3 =	simm.s32 @!p0 $0x1082;
	s9 =	sld [smem:$0x3FB2]  }
0x2f: {  	lr =	sadd.s32 s0, s3;
	s0 =	sld [smem:$0x3FA9]  }
0x30: {  	s3 =	sld [smem:$0x3FAC]  }
0x31: {  	[smem:$0x3FB5] =	sst s10  }
0x32: {  	s10 =	sld [smem:$0x3FB3];
	_ =	sdelay $0x3  }
0x33: {  	p0 =	seq.s32 s10, $0x1;
	s10 =	sld [smem:$0x3FB5];
	_ =	sdelay $0x3  }
0x34: {  	[smem:$0x3FB5] =	sst s10  }
0x35: {  	s10 =	sld [smem:$0x3FB4];
	_ =	sdelay $0x3  }
0x36: {  	p1 =	seq.s32 s10, $0x1;
	s10 =	sld [smem:$0x3FB5];
	_ =	sdelay $0x3  }
0x37: {  	[smem:$0x3FB5] =	sst s10  }
0x38: {  	s10 =	sld [smem:$0x3FB6]  }
0x39: {  	_ = 	snop;
	(pc) =	sbr.ind lr, $3  }
0x3a: {  	_ = 	snop  }
0x3b: {  	_ = 	snop  }
0x3c: {  	p2 =	seq.s32 s10, $0x1;
	s10 =	sld [smem:$0x3FB5]  }
0x3d: {  	_ =	shalt  }
0x3e: {  	_ =	shalt  }
0x3f: {  	_ =	shalt  }
0x40: {  	_ =	shalt  }
0x41: {  	_ =	shalt  }
0x42: {  	_ =	shalt  }
0x43: {  	_ =	shalt  }
0x44: {  	_ =	shalt  }
0x45: {  	_ =	shalt  }
0x46: {  	_ =	shalt  }
0x47: {  	_ =	shalt  }
0x48: {  	_ =	shalt  }
0x49: {  	_ =	shalt  }
0x4a: {  	_ =	shalt  }
0x4b: {  	_ =	shalt  }
0x4c: {  	_ =	shalt  }
0x4d: {  	_ =	shalt  }
0x4e: {  	_ =	shalt  }
0x4f: {  	_ =	shalt  }
0x50: {  	_ =	shalt  }
0x51: {  	_ =	shalt  }
0x52: {  	_ =	shalt  }
0x53: {  	_ =	shalt  }
0x54: {  	_ =	shalt  }
0x55: {  	_ =	shalt  }
0x56: {  	_ =	shalt  }
0x57: {  	_ =	shalt  }
0x58: {  	_ =	shalt  }
0x59: {  	_ =	shalt  }
0x5a: {  	_ =	shalt  }
0x5b: {  	_ =	shalt  }
0x5c: {  	_ =	shalt  }
0x5d: {  	_ =	shalt  }
0x5e: {  	_ =	shalt  }
0x5f: {  	_ =	shalt  }
0x60: {  	_ =	shalt  }
0x61: {  	_ =	shalt  }
0x62: {  	_ =	shalt  }
0x63: {  	_ =	shalt  }
0x64: {  	_ =	shalt  }
0x65: {  	_ =	shalt  }
0x66: {  	_ =	shalt  }
0x67: {  	_ =	shalt  }
0x68: {  	_ =	shalt  }
0x69: {  	_ =	shalt  }
0x6a: {  	_ =	shalt  }
0x6b: {  	_ =	shalt  }
0x6c: {  	_ =	shalt  }
0x6d: {  	_ =	shalt  }
0x6e: {  	_ =	shalt  }
0x6f: {  	_ =	shalt  }
0x70: {  	_ =	shalt  }
0x71: {  	_ =	shalt  }
0x72: {  	_ =	shalt  }
0x73: {  	_ =	shalt  }
0x74: {  	_ =	shalt  }
0x75: {  	_ =	shalt  }
0x76: {  	_ =	shalt  }
0x77: {  	_ =	shalt  }
0x78: {  	_ =	shalt  }
0x79: {  	_ =	shalt  }
0x7a: {  	_ =	shalt  }
0x7b: {  	_ =	shalt  }
0x7c: {  	_ =	shalt  }
0x7d: {  	_ =	shalt  }
0x7e: {  	_ =	shalt  }
0x7f: {  	_ =	shalt  }
0x80: {  	_ =	shalt  }
0x81: {  	_ =	shalt  }
0x82: {  	_ =	shalt  }
0x83: {  	_ =	shalt  }
0x84: {  	_ =	shalt  }
0x85: {  	_ =	shalt  }
0x86: {  	_ =	shalt  }
0x87: {  	_ =	shalt  }
.Lfunc_end0:
.L_simem_size_0:
called_computation.2_lowered:
.L_overlay_start_0:
0x88: {  	s2 =	sld [smem:$0x3FD9]  }
0x89: {  	s3 =	sld [smem:$0x3FFE];
	_ =	sdelay $0x1  }
0x8a: {  	s1 =	srdreg.scid  }
0x8b: {  	s0 =	sand.u32 $0x1, s1  }
0x8c: {  	s16 =	sshll.u32 s0, $0xA;
	s2 =	sadd.s32 s3, s2  }
0x8d: {  	s2 =	sadd.s32 s2, s16  }
0x8e: {  	[smem:$0x3FC1] =	sst s2  }
0x8f: {  	_ = 	snop  }
0x90: {  	(tm) =	ssettm $0x1  }
0x91: {  	s17 =	sld [smem:$0x3FFB];
	_ =	sdelay $0x3  }
0x92: {  	_ =	strace s17  }
0x93: {  	s2 =	sld [smem:$0x3FFC];
	_ =	sdelay $0x3  }
0x94: {  	_ =	strace s2  }
0x95: {  	s2 =	sld [smem:$0x3FFD];
	_ =	sdelay $0x3  }
0x96: {  	_ =	strace s2  }
0x97: {  	_ =	strace $0x8FFFFFFF  }
0x98: {  	s18 =	sld [smem:$0x3FDB];
	_ =	sdelay $0x1  }
0x99: {  	s19 =	simm.s32 $_scs_section_size  }
0x9a: {  	s4 =	simm.s32 $_size__tile_overlayer_lowered;
	s5 =	simm.s32 $_tile_overlayer_lowered  }
0x9b: {  	s22 =	simm.s32 $0x1BFF;
	s21 =	sshll.u32 s5, $0x1;
	s2 =	sadd.s32 s19, s18  }
0x9c: {  	s6 =	simm.s32 $0x0;
	s20 =	sshll.u32 s4, $0x1;
	s4 =	sadd.s32 s21, s2  }
0x9d: {  	[timem:s6], [sflag:s22] =	dma.local [hbm:s4], s20  }
0x9e: {  	_ =	swait.ge [sflag:s22], s20  }
0x9f: {  	s3 =	ssub.s32 $0x0, s20;
	[sflag:s22] =	ssyncset.done $0x0  }
0xa0: {  	[sflag:s22] =	ssyncadd.s32 s3;
	_ =	sdelay $0x1  }
0xa1: {  	s23 =	simm.s32 $0x1B8B  }
0xa2: {  	_ =	swait.ge [sflag:s23], $0x1  }
0xa3: {  	[sflag:s23] =	ssyncset.done $0x0  }
0xa4: {  	s25 =	simm.s32 $0x1B8E;
	s24 =	sld [smem:$0x3FFE];
	[sflag:s23] =	ssyncadd.s32 $0xFFFFFFFF  }
0xa5: {  	s26 =	simm.s32 $execute0_lowered;
	[smem:$0x3FD2] =	sst s25  }
0xa6: {  	s4 =	sshll.u32 s26, $0x1;
	_ =	strace $0x8000004C;
	[dreg:$0x1] =	wrdreg $0xFFFFFFFF  }
0xa7: {  	s28 =	simm.s32 $_size_execute0_lowered;
	s2 =	sadd.s32 s2, s4;
	[dreg:$0x0] =	wrdreg $0x0  }
0xa8: {  	s4 =	sshll.u32 s28, $0x1;
	[dreg:$0x2] =	wrdreg s2  }
0xa9: {  	[dreg:$0x3] =	wrdreg s4  }
0xaa: {  	[dreg:$0x4] =	wrdreg $0xC0  }
0xab: {  	_ =	task [dreg:s6], $0x5FFFF  }
0xac: {  	[dreg:$0x1] =	wrdreg $0xFFFFFFFF  }
0xad: {  	[dreg:$0x0] =	wrdreg $0x60  }
0xae: {  	[dreg:$0x2] =	wrdreg s24  }
0xaf: {  	[dreg:$0x3] =	wrdreg $0xA8000  }
0xb0: {  	[dreg:$0x4] =	wrdreg $0x9  }
0xb1: {  	_ =	task.clear_ibuf [dreg:s6], $0x5FFFF;
	_ =	strace $0x9000004C  }
0xb2: {  	s29 =	simm.s32 $0x9;
	_ =	strace $0x8000004E  }
0xb3: {  	_ =	swait.ge [sflag:s29], $0x1  }
0xb4: {  	[sflag:s29] =	ssyncadd.s32 $0xFFFFFFFF  }
0xb5: {  	_ =	strace $0x9000004E  }
0xb6: {  	_ =	sfence  }
0xb7: {  	s30 =	sld [smem:$0x0];
	_ =	sdelay $0x2  }
0xb8: {  	s31 =	sshll.u32 s1, $0xD;
	s1 =	sshrl.u32 s1, $0x2  }
0xb9: {  	s3 =	sand.u32 $0x4000, s31;
	s1 =	sadd.s32 s1, s30  }
0xba: {  	s0 =	sor.u32 s3, s0;
	s1 =	sshll.u32 s1, $0x11  }
0xbb: {  	s0 =	sor.u32 s1, s0  }
0xbc: {  	s0 =	sadd.s32 $0x8F2B, s0  }
0xbd: {  	[sflag:s0] =	ssyncadd.remote.s32 $0x1  }
0xbe: {  	_ =	sfence.sel $0xFFFF  }
0xbf: {  	[dreg:$0x0] =	wrdreg $0xFFFFFFFF;
	(pc) =	sbr.abs _section_cstart, $3  }
0xc0: {  	[dreg:$0x1] =	wrdreg $0xFFFFFFFF  }
0xc1: {  	_ =	task.clear_ibuf [dreg:s6], $0x2FFFF;
	_ =	strace $0x9FFFFFFF  }
0xc2: {  	(tm) =	ssettm $0x7FFFFFFF  }
0xc3: {  	_ =	shalt  }
tec
execute0_lowered:
.L_overlay_start_1:
0x0: {  	(tag) =	ssettag $0x1  }
0x1: {  	s0 =	rddreg [dreg:$0x0];
	s2 =	srdreg.scid  }
0x2: {  	s1 =	rddreg [dreg:$0x1];
	s11 =	stileid.u32  }
0x3: {  	s3 =	simm.s32 $0x0;
	s12 =	simm.s32 $0x1400;
	s13 =	simm.s32 $0x40  }
0x4: {  	s14 =	simm.s32 $0x2800;
	s15 =	simm.s32 $0x80;
	s16 =	simm.s32 $0x4800  }
0x5: {  	s17 =	simm.s32 $0x100;
	s18 =	simm.s32 $0x6800;
	s19 =	simm.s32 $0x1  }
0x6: {  	s20 =	simm.s32 $0x8800;
	s21 =	simm.s32 $0x2;
	s22 =	simm.s32 $0x3  }
0x7: {  	s23 =	simm.s32 $0x4;
	s28 =	simm.s32 $0x2680;
	s29 =	simm.s32 $0x2700  }
0x8: {  	s30 =	simm.s32 $0x2780;
	s2 =	sand.u32 $0x1, s2;
	s6 =	smul.u32 $0x13C00, s11  }
0x9: {  	[smem:$0x7FF] =	sst s3;
	s4 =	sadd.s32 $0xA1800, s0;
	s24 =	sadd.s32 $0x2AC00, s0  }
0xa: {  	s8 =	smul.u32 $0x4F000, s11;
	s10 =	sshll.u32 s11, $0x2;
	p0 =	sne.s32 s11, $0x0  }
0xb: {  	s11 =	simm.s32 $0x5;
	s5 =	smul.u32 $0x13C000, s2;
	_ =	strace $0x8000004D  }
0xc: {  	[dreg:$0x3] =	wrdreg s24;
	s25 =	ssub.s32 $0x2, s2;
	s2 =	sshll.u32 s2, $0x6  }
0xd: {  	s24 =	simm.s32 $0x2600;
	s9 =	sshrl.u32 s25, $0x1;
	s26 =	sshrl.u32 s8, $0x2  }
0xe: {  	s7 =	sadd.s32 s6, s5;
	s5 =	sadd.s32 $0x2C00, s0;
	s9 =	ssub.s32 s25, s9  }
0xf: {  	s31 =	sadd.s32 s26, s1;
	s26 =	simm.s32 $0x1380;
	s7 =	sshrl.u32 s7, $0x3  }
0x10: {  	s9 =	smax.u32 s9, $0x1;
	s25 =	sshrl.u32 s31, $0x3;
	s0 =	sadd.s32 s7, s0  }
0x11: {  	s7 =	sor.u32 s10, s2;
	s10 =	sshrl.u32 @!p0 s1, $0x3;
	s8 =	sadd.s32 $0xC8A00, s0  }
.LBB2_1:
0x12: {  	s0 =	simm.s32 @!p0 $0x1C05;
	s2 =	rddreg [dreg:$0x3]  }
0x13: {  	[spmem:s10], [sflag:s0] =	dma.local @!p0 [hbm:s2], $0x27800  }
0x14: {  	s0 =	simm.s32 @!p0 $0x5  }
0x15: {  	_ =	swait.ge @!p0 [sflag:s0], $0x27800  }
0x16: {  	[sflag:s0] =	ssyncset.done @!p0 $0x0  }
0x17: {  	[sflag:s0] =	ssyncadd.s32 @!p0 $0xFFFD8800  }
0x18: {  	s31 =	simm.s32 $0x0;
	[bflag:$0x0] =	sbarrier.arrive $0xFFFF  }
.LBB2_2:
0x19: {  	s0 =	sadd.s32 s7, s31  }
0x1a: {  	s0 =	smul.u32 $0x1400, s0;
	_ =	sdelay $0x1  }
0x1b: {  	s0 =	sshrl.u32 s0, $0x3  }
0x1c: {  	s2 =	simm.s32 $0x0;
	s0 =	sadd.s32 s5, s0  }
0x1d: {  	[tilespmem:s2], [sflag:$0x5] =	stream.linear.gather [hbm4b:s0+s2], $0x1400, $0x38;
	[tilespmem:$0x1E400] =	vst v63  }
0x1e: {  	_ =	swait.ge [sflag:s11], $0x1400  }
0x1f: {  	[sflag:s11] =	ssyncset.done $0x0  }
0x20: {  	s0 =	sadd.s32 $0x14000, s0;
	[sflag:s11] =	ssyncadd.s32 $0xFFFFEC00  }
0x21: {  	[tilespmem:s12], [sflag:$0x5] =	stream.linear.gather [hbm4b:s0+s2], $0x1400, $0x38;
	[tilespmem:$0x1E400] =	vst v63  }
0x22: {  	_ =	swait.ge [sflag:s11], $0x1400  }
0x23: {  	[sflag:s11] =	ssyncset.done $0x0  }
0x24: {  	[sflag:s11] =	ssyncadd.s32 $0xFFFFEC00  }
0x25: {  	[tilespmem:s14], [sflag:$0x1] =	stream.indirect.gather [hbm4b:s4+s13], $0x80, s2, s13, $0xb8;
	[tilespmem:$0x1E400] =	vst v63  }
0x26: {  	_ = 	snop  }
0x27: {  	[tilespmem:s16], [sflag:$0x2] =	stream.indirect.gather [hbm4b:s4+s13], $0x80, s15, s13, $0xb8;
	[tilespmem:$0x1E400] =	vst v63  }
0x28: {  	_ = 	snop  }
0x29: {  	[tilespmem:s18], [sflag:$0x3] =	stream.indirect.gather [hbm4b:s4+s13], $0x80, s17, s13, $0xb8;
	[tilespmem:$0x1E400] =	vst v63  }
0x2a: {  	_ =	swait.ge [sflag:s19], $0x2000  }
0x2b: {  	[sflag:s19] =	ssyncset.done $0x0  }
0x2c: {  	s6 =	simm.s32 $0x1400;
	[sflag:s19] =	ssyncadd.s32 $0xFFFFE000  }
0x2d: {  	[spmem:s1] =	stream.indirect.scatter.add.f32 [tilespmem:s14], [sflag:$0x5], $0x80, s6, s13, $0xb8;
	[tilespmem:$0x1E400] =	vst v63  }
0x2e: {  	_ =	swait.ge [sflag:s11], $0x2000  }
0x2f: {  	[sflag:s11] =	ssyncset.done $0x0  }
0x30: {  	s2 =	simm.s32 $0x180;
	[sflag:s11] =	ssyncadd.s32 $0xFFFFE000  }
0x31: {  	[tilespmem:s20], [sflag:$0x4] =	stream.indirect.gather [hbm4b:s4+s13], $0x80, s2, s13, $0xb8;
	[tilespmem:$0x1E400] =	vst v63  }
0x32: {  	_ =	swait.ge [sflag:s21], $0x2000  }
0x33: {  	[sflag:s21] =	ssyncset.done $0x0  }
0x34: {  	s6 =	simm.s32 $0x1480;
	[sflag:s21] =	ssyncadd.s32 $0xFFFFE000  }
0x35: {  	[spmem:s1] =	stream.indirect.scatter.add.f32 [tilespmem:s16], [sflag:$0x5], $0x80, s6, s13, $0xb8;
	[tilespmem:$0x1E400] =	vst v63  }
0x36: {  	_ =	swait.ge [sflag:s11], $0x2000  }
0x37: {  	[sflag:s11] =	ssyncset.done $0x0  }
0x38: {  	s2 =	simm.s32 $0x200;
	[sflag:s11] =	ssyncadd.s32 $0xFFFFE000  }
0x39: {  	[tilespmem:s14], [sflag:$0x1] =	stream.indirect.gather [hbm4b:s4+s13], $0x80, s2, s13, $0xb8;
	[tilespmem:$0x1E400] =	vst v63  }
0x3a: {  	_ =	swait.ge [sflag:s22], $0x2000  }
0x3b: {  	[sflag:s22] =	ssyncset.done $0x0  }
0x3c: {  	s6 =	simm.s32 $0x1500;
	[sflag:s22] =	ssyncadd.s32 $0xFFFFE000  }
0x3d: {  	[spmem:s1] =	stream.indirect.scatter.add.f32 [tilespmem:s18], [sflag:$0x5], $0x80, s6, s13, $0xb8;
	[tilespmem:$0x1E400] =	vst v63  }
0x3e: {  	_ =	swait.ge [sflag:s11], $0x2000  }
0x3f: {  	[sflag:s11] =	ssyncset.done $0x0  }
0x40: {  	s2 =	simm.s32 $0x280;
	[sflag:s11] =	ssyncadd.s32 $0xFFFFE000  }
0x41: {  	[tilespmem:s16], [sflag:$0x2] =	stream.indirect.gather [hbm4b:s4+s13], $0x80, s2, s13, $0xb8;
	[tilespmem:$0x1E400] =	vst v63  }
0x42: {  	_ =	swait.ge [sflag:s23], $0x2000  }
0x43: {  	[sflag:s23] =	ssyncset.done $0x0  }
0x44: {  	s6 =	simm.s32 $0x1580;
	[sflag:s23] =	ssyncadd.s32 $0xFFFFE000  }
0x45: {  	[spmem:s1] =	stream.indirect.scatter.add.f32 [tilespmem:s20], [sflag:$0x5], $0x80, s6, s13, $0xb8;
	[tilespmem:$0x1E400] =	vst v63  }
0x46: {  	_ =	swait.ge [sflag:s11], $0x2000  }
0x47: {  	[sflag:s11] =	ssyncset.done $0x0  }
0x48: {  	s0 =	simm.s32 $0x800;
	s2 =	simm.s32 $0x300;
	[sflag:s11] =	ssyncadd.s32 $0xFFFFE000  }
.LBB2_3:
0x49: {  	[tilespmem:s18], [sflag:$0x3] =	stream.indirect.gather [hbm4b:s4+s13], $0x80, s2, s13, $0xb8;
	[tilespmem:$0x1E400] =	vst v63  }
0x4a: {  	s2 =	smov.u32 s0  }
0x4b: {  	p1 =	sne.s32 s0, $0x4000;
	s0 =	sadd.s32 $0x800, s0;
	_ =	swait.ge [sflag:s19], $0x2000  }
0x4c: {  	s2 =	sshra.s32 s2, $0x2;
	[sflag:s19] =	ssyncset.done $0x0  }
0x4d: {  	s6 =	sadd.s32 $0x1400, s2;
	[sflag:s19] =	ssyncadd.s32 $0xFFFFE000  }
0x4e: {  	[spmem:s1] =	stream.indirect.scatter.add.f32 [tilespmem:s14], [sflag:$0x5], $0x80, s6, s13, $0xb8;
	[tilespmem:$0x1E400] =	vst v63  }
0x4f: {  	_ =	swait.ge [sflag:s11], $0x2000  }
0x50: {  	[sflag:s11] =	ssyncset.done $0x0  }
0x51: {  	s6 =	sadd.s32 $0x180, s2;
	[sflag:s11] =	ssyncadd.s32 $0xFFFFE000  }
0x52: {  	[tilespmem:s20], [sflag:$0x4] =	stream.indirect.gather [hbm4b:s4+s13], $0x80, s6, s13, $0xb8;
	[tilespmem:$0x1E400] =	vst v63  }
0x53: {  	_ =	swait.ge [sflag:s21], $0x2000  }
0x54: {  	[sflag:s21] =	ssyncset.done $0x0  }
0x55: {  	s6 =	sadd.s32 $0x1480, s2;
	[sflag:s21] =	ssyncadd.s32 $0xFFFFE000  }
0x56: {  	[spmem:s1] =	stream.indirect.scatter.add.f32 [tilespmem:s16], [sflag:$0x5], $0x80, s6, s13, $0xb8;
	[tilespmem:$0x1E400] =	vst v63  }
0x57: {  	_ =	swait.ge [sflag:s11], $0x2000  }
0x58: {  	[sflag:s11] =	ssyncset.done $0x0  }
0x59: {  	s6 =	sadd.s32 $0x200, s2;
	[sflag:s11] =	ssyncadd.s32 $0xFFFFE000  }
0x5a: {  	[tilespmem:s14], [sflag:$0x1] =	stream.indirect.gather [hbm4b:s4+s13], $0x80, s6, s13, $0xb8;
	[tilespmem:$0x1E400] =	vst v63  }
0x5b: {  	_ =	swait.ge [sflag:s22], $0x2000  }
0x5c: {  	[sflag:s22] =	ssyncset.done $0x0  }
0x5d: {  	s6 =	sadd.s32 $0x1500, s2;
	[sflag:s22] =	ssyncadd.s32 $0xFFFFE000  }
0x5e: {  	[spmem:s1] =	stream.indirect.scatter.add.f32 [tilespmem:s18], [sflag:$0x5], $0x80, s6, s13, $0xb8;
	[tilespmem:$0x1E400] =	vst v63  }
0x5f: {  	_ =	swait.ge [sflag:s11], $0x2000  }
0x60: {  	[sflag:s11] =	ssyncset.done $0x0  }
0x61: {  	s6 =	sadd.s32 $0x280, s2;
	[sflag:s11] =	ssyncadd.s32 $0xFFFFE000  }
0x62: {  	[tilespmem:s16], [sflag:$0x2] =	stream.indirect.gather [hbm4b:s4+s13], $0x80, s6, s13, $0xb8;
	[tilespmem:$0x1E400] =	vst v63  }
0x63: {  	_ =	swait.ge [sflag:s23], $0x2000  }
0x64: {  	[sflag:s23] =	ssyncset.done $0x0  }
.Ltmp0:
0x65: {  	s6 =	sadd.s32 $0x1580, s2;
	[sflag:s23] =	ssyncadd.s32 $0xFFFFE000;
	(pc) =	sbr.rel @p1 .LBB2_3-.Ltmp0, $4  }
0x66: {  	[spmem:s1] =	stream.indirect.scatter.add.f32 [tilespmem:s20], [sflag:$0x5], $0x80, s6, s13, $0xb8;
	[tilespmem:$0x1E400] =	vst v63  }
0x67: {  	_ =	swait.ge [sflag:s11], $0x2000  }
0x68: {  	[sflag:s11] =	ssyncset.done $0x0  }
0x69: {  	s2 =	sadd.s32 $0x300, s2;
	[sflag:s11] =	ssyncadd.s32 $0xFFFFE000  }
0x6a: {  	[tilespmem:s18], [sflag:$0x3] =	stream.indirect.gather [hbm4b:s4+s13], $0x80, s2, s13, $0xb8;
	[tilespmem:$0x1E400] =	vst v63  }
0x6b: {  	_ =	swait.ge [sflag:s19], $0x2000  }
0x6c: {  	[sflag:s19] =	ssyncset.done $0x0  }
0x6d: {  	[sflag:s19] =	ssyncadd.s32 $0xFFFFE000  }
0x6e: {  	[spmem:s1] =	stream.indirect.scatter.add.f32 [tilespmem:s14], [sflag:$0x5], $0x80, s24, s13, $0xb8;
	[tilespmem:$0x1E400] =	vst v63  }
0x6f: {  	_ =	swait.ge [sflag:s11], $0x2000  }
0x70: {  	[sflag:s11] =	ssyncset.done $0x0  }
0x71: {  	[sflag:s11] =	ssyncadd.s32 $0xFFFFE000  }
0x72: {  	[tilespmem:s20], [sflag:$0x4] =	stream.indirect.gather [hbm4b:s4+s13], $0x80, s26, s13, $0xb8;
	[tilespmem:$0x1E400] =	vst v63  }
0x73: {  	_ =	swait.ge [sflag:s21], $0x2000  }
0x74: {  	[sflag:s21] =	ssyncset.done $0x0  }
0x75: {  	[sflag:s21] =	ssyncadd.s32 $0xFFFFE000  }
0x76: {  	[spmem:s1] =	stream.indirect.scatter.add.f32 [tilespmem:s16], [sflag:$0x5], $0x80, s28, s13, $0xb8;
	[tilespmem:$0x1E400] =	vst v63  }
0x77: {  	_ =	swait.ge [sflag:s11], $0x2000  }
0x78: {  	[sflag:s11] =	ssyncset.done $0x0  }
0x79: {  	[sflag:s11] =	ssyncadd.s32 $0xFFFFE000  }
0x7a: {  	_ =	swait.ge [sflag:s22], $0x2000  }
0x7b: {  	[sflag:s22] =	ssyncset.done $0x0  }
0x7c: {  	[sflag:s22] =	ssyncadd.s32 $0xFFFFE000  }
0x7d: {  	[spmem:s1] =	stream.indirect.scatter.add.f32 [tilespmem:s18], [sflag:$0x5], $0x80, s29, s13, $0xb8;
	[tilespmem:$0x1E400] =	vst v63  }
0x7e: {  	_ =	swait.ge [sflag:s11], $0x2000  }
0x7f: {  	[sflag:s11] =	ssyncset.done $0x0  }
0x80: {  	[sflag:s11] =	ssyncadd.s32 $0xFFFFE000  }
0x81: {  	s31 =	sadd.s32 $0x1, s31;
	_ =	swait.ge [sflag:s23], $0x2000  }
0x82: {  	p1 =	sne.s32 s31, $0x4;
	[sflag:s23] =	ssyncset.done $0x0  }
.Ltmp1:
0x83: {  	[sflag:s23] =	ssyncadd.s32 $0xFFFFE000;
	(pc) =	sbr.rel @p1 .LBB2_2-.Ltmp1, $4  }
0x84: {  	[spmem:s1] =	stream.indirect.scatter.add.f32 [tilespmem:s20], [sflag:$0x5], $0x80, s30, s13, $0xb8;
	[tilespmem:$0x1E400] =	vst v63  }
0x85: {  	_ =	swait.ge [sflag:s11], $0x2000  }
0x86: {  	[sflag:s11] =	ssyncset.done $0x0  }
0x87: {  	[sflag:s11] =	ssyncadd.s32 $0xFFFFE000  }
0x88: {  	s0 =	stileid.u32;
	s3 =	sadd.s32 $0x1, s3  }
0x89: {  	s0 =	sshll.u32 s0, $0x6;
	p1 =	sne.s32 s3, s9  }
.Ltmp2:
0x8a: {  	[bflag:$0x0] =	sbarrier.arrive $0xFFFF;
	s0 =	sor.u32 $0x1C05, s0;
	(pc) =	sbr.rel @p1 .LBB2_1-.Ltmp2, $4  }
0x8b: {  	[hbm:s8], [sflag:s0] =	dma.local [spmem:s25], $0x2780  }
0x8c: {  	_ =	swait.ge [sflag:s11], $0x2780  }
0x8d: {  	[sflag:s11] =	ssyncset.done $0x0  }
0x8e: {  	[sflag:s11] =	ssyncadd.s32 $0xFFFFD880  }
0x8f: {  	_ =	sfence.sel $0x180000  }
0x90: {  	[bflag:$0x0] =	sbarrier.arrive $0xFFFF  }
0x91: {  	_ =	strace $0x9000004D  }
0x92: {  	[bflag:$0x2] =	sbarrier.arrive $0xFFFF  }
0x93: {  	s0 =	rddreg [dreg:$0x2]  }
0x94: {  	s0 =	sadd.s32 @!p0 $0x100000, s0  }
0x95: {  	[sflag:s0] =	ssyncadd.tile.s32 @!p0 $0x1;
	_ =	shalt  }
.Lfunc_end2:
_tile_overlayer_lowered:
.L_overlay_start_2:
0x96: {  	(tag) =	ssettag $0x2  }
0x97: {  	s0 =	rddreg [dreg:$0x0];
	s2 =	stileid.u32  }
0x98: {  	s1 =	rddreg [dreg:$0x1];
	p0 =	sne.s32 s2, $0x0  }
0x99: {  	s3 =	rddreg [dreg:$0x2];
	[bflag:$0x3] =	sbarrier.arrive $0xFFFF;
	s2 =	simm.s32 @!p0 $0x1C05  }
0x9a: {  	[timem:s3], [sflag:s2] =	dma.local @!p0 [hbm:s0], s1  }
0x9b: {  	s0 =	simm.s32 @!p0 $0x5  }
0x9c: {  	_ =	swait.ge @!p0 [sflag:s0], s1  }
0x9d: {  	s1 =	ssub.s32 @!p0 $0x0, s1;
	[sflag:s0] =	ssyncset.done @!p0 $0x0  }
0x9e: {  	[sflag:s0] =	ssyncadd.s32 @!p0 s1  }
0x9f: {  	[bflag:$0x3] =	sbarrier.arrive $0xFFFF  }
0xa0: {  	_ =	shalt  }

// kernel: kernel.8.cloned.1.call-start
scs
__scs_entry_jumppad:
0x0: {  	(pc) =	sbr.rel $0x88, $3  }
0x1: {  	(tag) =	ssettag $0x0;
	lr =	simm.s32 $0x1  }
0x2: {  	[smem:$0x3F9A] =	sst lr;
	_ =	strace $0xD0000000  }
0x3: {  	_ = 	snop  }
0x4: {  	_ = 	snop  }
0x5: {  	_ = 	snop  }
0x6: {  	_ = 	snop  }
0x7: {  	_ = 	snop  }
__scs_overlays_trampoline_lowered:
0x8: {  	[smem:$0x3FA9] =	sst s0  }
0x9: {  	[smem:$0x3FAA] =	sst s1  }
0xa: {  	[smem:$0x3FAB] =	sst s2  }
0xb: {  	[smem:$0x3FAC] =	sst s3  }
0xc: {  	[smem:$0x3FAD] =	sst s4  }
0xd: {  	[smem:$0x3FAE] =	sst s5  }
0xe: {  	[smem:$0x3FAF] =	sst s6  }
0xf: {  	[smem:$0x3FB0] =	sst s7  }
0x10: {  	[smem:$0x3FB1] =	sst s8  }
0x11: {  	[smem:$0x3FB2] =	sst s9;
	s0 =	simm.s32 @!p0 $0x0  }
0x12: {  	s1 =	sld [smem:$0x3F98];
	s0 =	simm.s32 @p0 $0x1  }
0x13: {  	[smem:$0x3FB3] =	sst s0;
	s0 =	simm.s32 @!p1 $0x0  }
0x14: {  	s2 =	sld [smem:$0x3F97];
	s0 =	simm.s32 @p1 $0x1  }
0x15: {  	[smem:$0x3FB4] =	sst s0;
	s0 =	simm.s32 @!p2 $0x0  }
0x16: {  	s3 =	sld [smem:$0x3FDB];
	s0 =	simm.s32 @p2 $0x1  }
0x17: {  	s4 =	simm.s32 $0x1BF5;
	[smem:$0x3FB6] =	sst s0  }
0x18: {  	s0 =	sld [smem:$0x3F99];
	_ =	swait.ge [sflag:s4], $0x0  }
0x19: {  	s7 =	sld [smem:$0x3F9A]  }
0x1a: {  	s8 =	sadd.s32 $0xFFFFE003, lr  }
0x1b: {  	s9 =	sadd.s32 $0xFFFFFEF7, lr;
	s5 =	simm.s32 $0xFFFFFFFF;
	p2 =	slt.u32 s8, $0xFFFFF086  }
0x1c: {  	p1 =	slt.u32 s9, $0xF7A;
	s5 =	simm.s32 @!p2 $0x0  }
0x1d: {  	s5 =	simm.s32 @p1 $0x1;
	p0 =	seq.s32 s7, s2  }
0x1e: {  	s7 =	smul.u32 @!p0 $0xF7A, s2;
	p2 =	seq.s32 @!p0 s5, $0x0  }
0x1f: {  	s9 =	smul.u32 $0xF7A, s1;
	s8 =	simm.s32 @!p0 $0x1BF5;
	p2 =	por !p2, p0  }
0x20: {  	[sflag:s8] =	ssyncset.s32 @!p0 $0xFFFFF086;
	s6 =	sadd.s32 @!p0 s3, s7;
	s7 =	simm.s32 @!p0 $0x108  }
0x21: {  	s3 =	sadd.s32 s3, s9;
	s6 =	sadd.s32 @!p0 $0x88, s6;
	s7 =	simm.s32 @p2 $0x1082  }
0x22: {  	[simem:s7], [sflag:s8] =	dma.local @!p0 [hbm:s6], $0xF7A  }
0x23: {  	s9 =	sor.u32 $0xD0000000, s2;
	s6 =	simm.s32 $0x108;
	_ =	swait.ge @!p0 [sflag:s8], $0x0  }
0x24: {  	s3 =	sadd.s32 $0x88, s3;
	s6 =	simm.s32 @!p1 $0x1082;
	[sflag:s4] =	ssyncset.s32 $0xFFFFF086  }
0x25: {  	[simem:s6], [sflag:s4] =	dma.local [hbm:s3], $0xF7A  }
0x26: {  	[smem:$0x3F9A] =	sst s1;
	(tag) =	ssettag s2;
	_ =	strace s9  }
0x27: {  	s1 =	sld [smem:$0x3FAA]  }
0x28: {  	s2 =	sld [smem:$0x3FAB]  }
0x29: {  	s4 =	sld [smem:$0x3FAD]  }
0x2a: {  	p0 =	seq.s32 s5, $0x0;
	s5 =	sld [smem:$0x3FAE]  }
0x2b: {  	s6 =	sld [smem:$0x3FAF]  }
0x2c: {  	s7 =	sld [smem:$0x3FB0]  }
0x2d: {  	s3 =	simm.s32 $0x108;
	s8 =	sld [smem:$0x3FB1]  }
0x2e: {  	s3 =	simm.s32 @!p0 $0x1082;
	s9 =	sld [smem:$0x3FB2]  }
0x2f: {  	lr =	sadd.s32 s0, s3;
	s0 =	sld [smem:$0x3FA9]  }
0x30: {  	s3 =	sld [smem:$0x3FAC]  }
0x31: {  	[smem:$0x3FB5] =	sst s10  }
0x32: {  	s10 =	sld [smem:$0x3FB3];
	_ =	sdelay $0x3  }
0x33: {  	p0 =	seq.s32 s10, $0x1;
	s10 =	sld [smem:$0x3FB5];
	_ =	sdelay $0x3  }
0x34: {  	[smem:$0x3FB5] =	sst s10  }
0x35: {  	s10 =	sld [smem:$0x3FB4];
	_ =	sdelay $0x3  }
0x36: {  	p1 =	seq.s32 s10, $0x1;
	s10 =	sld [smem:$0x3FB5];
	_ =	sdelay $0x3  }
0x37: {  	[smem:$0x3FB5] =	sst s10  }
0x38: {  	s10 =	sld [smem:$0x3FB6]  }
0x39: {  	_ = 	snop;
	(pc) =	sbr.ind lr, $3  }
0x3a: {  	_ = 	snop  }
0x3b: {  	_ = 	snop  }
0x3c: {  	p2 =	seq.s32 s10, $0x1;
	s10 =	sld [smem:$0x3FB5]  }
0x3d: {  	_ =	shalt  }
0x3e: {  	_ =	shalt  }
0x3f: {  	_ =	shalt  }
0x40: {  	_ =	shalt  }
0x41: {  	_ =	shalt  }
0x42: {  	_ =	shalt  }
0x43: {  	_ =	shalt  }
0x44: {  	_ =	shalt  }
0x45: {  	_ =	shalt  }
0x46: {  	_ =	shalt  }
0x47: {  	_ =	shalt  }
0x48: {  	_ =	shalt  }
0x49: {  	_ =	shalt  }
0x4a: {  	_ =	shalt  }
0x4b: {  	_ =	shalt  }
0x4c: {  	_ =	shalt  }
0x4d: {  	_ =	shalt  }
0x4e: {  	_ =	shalt  }
0x4f: {  	_ =	shalt  }
0x50: {  	_ =	shalt  }
0x51: {  	_ =	shalt  }
0x52: {  	_ =	shalt  }
0x53: {  	_ =	shalt  }
0x54: {  	_ =	shalt  }
0x55: {  	_ =	shalt  }
0x56: {  	_ =	shalt  }
0x57: {  	_ =	shalt  }
0x58: {  	_ =	shalt  }
0x59: {  	_ =	shalt  }
0x5a: {  	_ =	shalt  }
0x5b: {  	_ =	shalt  }
0x5c: {  	_ =	shalt  }
0x5d: {  	_ =	shalt  }
0x5e: {  	_ =	shalt  }
0x5f: {  	_ =	shalt  }
0x60: {  	_ =	shalt  }
0x61: {  	_ =	shalt  }
0x62: {  	_ =	shalt  }
0x63: {  	_ =	shalt  }
0x64: {  	_ =	shalt  }
0x65: {  	_ =	shalt  }
0x66: {  	_ =	shalt  }
0x67: {  	_ =	shalt  }
0x68: {  	_ =	shalt  }
0x69: {  	_ =	shalt  }
0x6a: {  	_ =	shalt  }
0x6b: {  	_ =	shalt  }
0x6c: {  	_ =	shalt  }
0x6d: {  	_ =	shalt  }
0x6e: {  	_ =	shalt  }
0x6f: {  	_ =	shalt  }
0x70: {  	_ =	shalt  }
0x71: {  	_ =	shalt  }
0x72: {  	_ =	shalt  }
0x73: {  	_ =	shalt  }
0x74: {  	_ =	shalt  }
0x75: {  	_ =	shalt  }
0x76: {  	_ =	shalt  }
0x77: {  	_ =	shalt  }
0x78: {  	_ =	shalt  }
0x79: {  	_ =	shalt  }
0x7a: {  	_ =	shalt  }
0x7b: {  	_ =	shalt  }
0x7c: {  	_ =	shalt  }
0x7d: {  	_ =	shalt  }
0x7e: {  	_ =	shalt  }
0x7f: {  	_ =	shalt  }
0x80: {  	_ =	shalt  }
0x81: {  	_ =	shalt  }
0x82: {  	_ =	shalt  }
0x83: {  	_ =	shalt  }
0x84: {  	_ =	shalt  }
0x85: {  	_ =	shalt  }
0x86: {  	_ =	shalt  }
0x87: {  	_ =	shalt  }
.Lfunc_end0:
.L_simem_size_0:
called_computation_lowered:
.L_overlay_start_0:
0x88: {  	s2 =	sld [smem:$0x3FD9]  }
0x89: {  	s3 =	sld [smem:$0x3FFE];
	_ =	sdelay $0x1  }
0x8a: {  	s1 =	srdreg.scid  }
0x8b: {  	s0 =	sand.u32 $0x1, s1  }
0x8c: {  	s16 =	sshll.u32 s0, $0xA;
	s2 =	sadd.s32 s3, s2  }
0x8d: {  	s2 =	sadd.s32 s2, s16  }
0x8e: {  	[smem:$0x3FC1] =	sst s2  }
0x8f: {  	_ = 	snop  }
0x90: {  	(tm) =	ssettm $0x1  }
0x91: {  	s17 =	sld [smem:$0x3FFB];
	_ =	sdelay $0x3  }
0x92: {  	_ =	strace s17  }
0x93: {  	s2 =	sld [smem:$0x3FFC];
	_ =	sdelay $0x3  }
0x94: {  	_ =	strace s2  }
0x95: {  	s2 =	sld [smem:$0x3FFD];
	_ =	sdelay $0x3  }
0x96: {  	_ =	strace s2  }
0x97: {  	_ =	strace $0x8FFFFFFF  }
0x98: {  	s18 =	sld [smem:$0x3FDB];
	_ =	sdelay $0x1  }
0x99: {  	s19 =	simm.s32 $_scs_section_size  }
0x9a: {  	s4 =	simm.s32 $_size__tile_overlayer_lowered;
	s5 =	simm.s32 $_tile_overlayer_lowered  }
0x9b: {  	s22 =	simm.s32 $0x1BFF;
	s21 =	sshll.u32 s5, $0x1;
	s2 =	sadd.s32 s19, s18  }
0x9c: {  	s6 =	simm.s32 $0x0;
	s20 =	sshll.u32 s4, $0x1;
	s4 =	sadd.s32 s21, s2  }
0x9d: {  	[timem:s6], [sflag:s22] =	dma.local [hbm:s4], s20  }
0x9e: {  	_ =	swait.ge [sflag:s22], s20  }
0x9f: {  	s3 =	ssub.s32 $0x0, s20;
	[sflag:s22] =	ssyncset.done $0x0  }
0xa0: {  	[sflag:s22] =	ssyncadd.s32 s3;
	_ =	sdelay $0x1  }
0xa1: {  	s23 =	simm.s32 $0x1B8B  }
0xa2: {  	_ =	swait.ge [sflag:s23], $0x1  }
0xa3: {  	[sflag:s23] =	ssyncset.done $0x0  }
0xa4: {  	s25 =	simm.s32 $0x1B8E;
	s24 =	sld [smem:$0x3FFE];
	[sflag:s23] =	ssyncadd.s32 $0xFFFFFFFF  }
0xa5: {  	s26 =	simm.s32 $execute0_lowered;
	[smem:$0x3FD2] =	sst s25  }
0xa6: {  	s4 =	sshll.u32 s26, $0x1;
	_ =	strace $0x80000046;
	[dreg:$0x1] =	wrdreg $0xFFFFFFFF  }
0xa7: {  	s28 =	simm.s32 $_size_execute0_lowered;
	s2 =	sadd.s32 s2, s4;
	[dreg:$0x0] =	wrdreg $0x0  }
0xa8: {  	s4 =	sshll.u32 s28, $0x1;
	[dreg:$0x2] =	wrdreg s2  }
0xa9: {  	[dreg:$0x3] =	wrdreg s4  }
0xaa: {  	[dreg:$0x4] =	wrdreg $0xC0  }
0xab: {  	_ =	task [dreg:s6], $0x5FFFF  }
0xac: {  	[dreg:$0x1] =	wrdreg $0xFFFFFFFF  }
0xad: {  	[dreg:$0x0] =	wrdreg $0x60  }
0xae: {  	[dreg:$0x2] =	wrdreg s24  }
0xaf: {  	[dreg:$0x3] =	wrdreg $0x34000  }
0xb0: {  	[dreg:$0x4] =	wrdreg $0x9  }
0xb1: {  	_ =	task.clear_ibuf [dreg:s6], $0x5FFFF;
	_ =	strace $0x90000046  }
0xb2: {  	s29 =	simm.s32 $0x9;
	_ =	strace $0x80000048  }
0xb3: {  	_ =	swait.ge [sflag:s29], $0x1  }
0xb4: {  	[sflag:s29] =	ssyncadd.s32 $0xFFFFFFFF  }
0xb5: {  	_ =	strace $0x90000048  }
0xb6: {  	_ =	sfence  }
0xb7: {  	s30 =	sld [smem:$0x0];
	_ =	sdelay $0x2  }
0xb8: {  	s31 =	sshll.u32 s1, $0xD;
	s1 =	sshrl.u32 s1, $0x2  }
0xb9: {  	s3 =	sand.u32 $0x4000, s31;
	s1 =	sadd.s32 s1, s30  }
0xba: {  	s0 =	sor.u32 s3, s0;
	s1 =	sshll.u32 s1, $0x11  }
0xbb: {  	s0 =	sor.u32 s1, s0  }
0xbc: {  	s0 =	sadd.s32 $0x8F2B, s0  }
0xbd: {  	[sflag:s0] =	ssyncadd.remote.s32 $0x1  }
0xbe: {  	_ =	sfence.sel $0xFFFF  }
0xbf: {  	[dreg:$0x0] =	wrdreg $0xFFFFFFFF;
	(pc) =	sbr.abs _section_cstart, $3  }
0xc0: {  	[dreg:$0x1] =	wrdreg $0xFFFFFFFF  }
0xc1: {  	_ =	task.clear_ibuf [dreg:s6], $0x2FFFF;
	_ =	strace $0x9FFFFFFF  }
0xc2: {  	(tm) =	ssettm $0x7FFFFFFF  }
0xc3: {  	_ =	shalt  }
tec
execute0_lowered:
.L_overlay_start_1:
0x0: {  	(tag) =	ssettag $0x1  }
0x1: {  	s0 =	srdreg.scid  }
0x2: {  	s15 =	stileid.u32;
	s5 =	rddreg [dreg:$0x0];
	s2 =	simm.s32 $0x0  }
0x3: {  	s12 =	simm.s32 $0x1400;
	s13 =	simm.s32 $0x1;
	s14 =	simm.s32 $0x40  }
0x4: {  	s17 =	simm.s32 $0x0;
	s4 =	sand.u32 $0x1, s0;
	s7 =	smul.u32 $0x13C00, s15  }
0x5: {  	s1 =	sshll.u32 s15, $0x2;
	[smem:$0x7FF] =	sst s2;
	s8 =	smul.u32 $0x4F000, s15  }
0x6: {  	p0 =	sne.s32 s15, $0x0;
	s15 =	sshll.u32 s15, $0x6;
	s0 =	sshll.u32 s4, $0x6  }
0x7: {  	s6 =	smul.u32 $0x13C000, s4;
	s29 =	ssub.s32 $0x2, s4;
	s4 =	sadd.s32 $0x2AC00, s5  }
0x8: {  	s15 =	sor.u32 $0x1C01, s15;
	s0 =	sor.u32 s1, s0;
	s1 =	rddreg [dreg:$0x1]  }
0x9: {  	s30 =	sshrl.u32 s29, $0x1;
	s31 =	sshrl.u32 s8, $0x2;
	s3 =	smul.u32 $0x1400, s0  }
0xa: {  	s0 =	rddreg [dreg:$0x2];
	_ =	strace $0x80000047;
	s6 =	sadd.s32 s7, s6  }
0xb: {  	s16 =	sadd.s32 s31, s1;
	s11 =	sshrl.u32 @!p0 s1, $0x3;
	s3 =	sshrl.u32 s3, $0x3  }
0xc: {  	s6 =	sshrl.u32 s6, $0x3;
	s16 =	sshrl.u32 s16, $0x3;
	s10 =	sadd.s32 s3, s5  }
0xd: {  	s3 =	sadd.s32 $0x52400, s5;
	s5 =	sadd.s32 s6, s5;
	s6 =	ssub.s32 s29, s30  }
0xe: {  	s5 =	sadd.s32 $0x52800, s5;
	s6 =	smax.u32 s6, $0x1;
	s7 =	sadd.s32 $0x16C00, s10  }
0xf: {  	s8 =	sadd.s32 $0x16E80, s10;
	s9 =	sadd.s32 $0x17100, s10;
	s10 =	sadd.s32 $0x17380, s10  }
.LBB2_1:
0x10: {  	s18 =	simm.s32 @!p0 $0x1C01  }
0x11: {  	[spmem:s11], [sflag:s18] =	dma.local @!p0 [hbm:s4], $0x27800  }
0x12: {  	s18 =	simm.s32 @!p0 $0x1  }
0x13: {  	_ =	swait.ge @!p0 [sflag:s18], $0x27800  }
0x14: {  	[sflag:s18] =	ssyncset.done @!p0 $0x0  }
0x15: {  	[sflag:s18] =	ssyncadd.s32 @!p0 $0xFFFD8800  }
0x16: {  	[tilespmem:s12], [sflag:$0x1] =	stream.linear.gather [hbm4b:s3+s2], $0x2000, $0x38;
	[tilespmem:$0x17000] =	vst v63  }
0x17: {  	_ =	swait.ge [sflag:s13], $0x2000  }
0x18: {  	[sflag:s13] =	ssyncset.done $0x0  }
0x19: {  	[sflag:s13] =	ssyncadd.s32 $0xFFFFE000  }
0x1a: {  	[bflag:$0x0] =	sbarrier.arrive $0xFFFF  }
0x1b: {  	[tilespmem:s2], [sflag:$0x1] =	stream.linear.gather [hbm4b:s7+s2], $0x1400, $0x38;
	[tilespmem:$0x17000] =	vst v63  }
0x1c: {  	_ =	swait.ge [sflag:s13], $0x1400  }
0x1d: {  	[sflag:s13] =	ssyncset.done $0x0  }
0x1e: {  	s31 =	simm.s32 $0x0;
	[sflag:s13] =	ssyncadd.s32 $0xFFFFEC00  }
0x1f: {  	[spmem:s1] =	stream.indirect.scatter.add.f32 [tilespmem:s12], [sflag:$0x1], $0x80, s31, s14, $0xb8;
	[tilespmem:$0x17000] =	vst v63  }
0x20: {  	_ =	swait.ge [sflag:s13], $0x2000  }
0x21: {  	s18 =	simm.s32 $0x200;
	[sflag:s13] =	ssyncset.done $0x0  }
.LBB2_2:
0x22: {  	s19 =	sshra.s32 s18, $0x2;
	[sflag:s13] =	ssyncadd.s32 $0xFFFFE000;
	p1 =	sne.s32 s18, $0x4E00  }
0x23: {  	[spmem:s1] =	stream.indirect.scatter.add.f32 [tilespmem:s12], [sflag:$0x1], $0x80, s19, s14, $0xb8;
	[tilespmem:$0x17000] =	vst v63  }
.Ltmp0:
0x24: {  	_ = 	snop;
	(pc) =	sbr.rel @p1 .LBB2_2-.Ltmp0, $4  }
0x25: {  	_ = 	snop  }
0x26: {  	s18 =	sadd.s32 $0x200, s18  }
0x27: {  	_ =	swait.ge [sflag:s13], $0x2000  }
0x28: {  	[sflag:s13] =	ssyncset.done $0x0  }
0x29: {  	[sflag:s13] =	ssyncadd.s32 $0xFFFFE000;
	s18 =	simm.s32 $0x0  }
0x2a: {  	[tilespmem:s18], [sflag:$0x1] =	stream.linear.gather [hbm4b:s8+s18], $0x1400, $0x38;
	[tilespmem:$0x17000] =	vst v63  }
0x2b: {  	_ =	swait.ge [sflag:s13], $0x1400  }
0x2c: {  	[sflag:s13] =	ssyncset.done $0x0  }
0x2d: {  	s31 =	simm.s32 $0x0;
	[sflag:s13] =	ssyncadd.s32 $0xFFFFEC00  }
0x2e: {  	[spmem:s1] =	stream.indirect.scatter.add.f32 [tilespmem:s12], [sflag:$0x1], $0x80, s31, s14, $0xb8;
	[tilespmem:$0x17000] =	vst v63  }
0x2f: {  	_ =	swait.ge [sflag:s13], $0x2000  }
0x30: {  	s18 =	simm.s32 $0x200;
	[sflag:s13] =	ssyncset.done $0x0  }
.LBB2_4:
0x31: {  	s19 =	sshra.s32 s18, $0x2;
	[sflag:s13] =	ssyncadd.s32 $0xFFFFE000;
	p1 =	sne.s32 s18, $0x4E00  }
0x32: {  	[spmem:s1] =	stream.indirect.scatter.add.f32 [tilespmem:s12], [sflag:$0x1], $0x80, s19, s14, $0xb8;
	[tilespmem:$0x17000] =	vst v63  }
.Ltmp1:
0x33: {  	_ = 	snop;
	(pc) =	sbr.rel @p1 .LBB2_4-.Ltmp1, $4  }
0x34: {  	_ = 	snop  }
0x35: {  	s18 =	sadd.s32 $0x200, s18  }
0x36: {  	_ =	swait.ge [sflag:s13], $0x2000  }
0x37: {  	[sflag:s13] =	ssyncset.done $0x0  }
0x38: {  	[sflag:s13] =	ssyncadd.s32 $0xFFFFE000;
	s18 =	simm.s32 $0x0  }
0x39: {  	[tilespmem:s18], [sflag:$0x1] =	stream.linear.gather [hbm4b:s9+s18], $0x1400, $0x38;
	[tilespmem:$0x17000] =	vst v63  }
0x3a: {  	_ =	swait.ge [sflag:s13], $0x1400  }
0x3b: {  	[sflag:s13] =	ssyncset.done $0x0  }
0x3c: {  	s31 =	simm.s32 $0x0;
	[sflag:s13] =	ssyncadd.s32 $0xFFFFEC00  }
0x3d: {  	[spmem:s1] =	stream.indirect.scatter.add.f32 [tilespmem:s12], [sflag:$0x1], $0x80, s31, s14, $0xb8;
	[tilespmem:$0x17000] =	vst v63  }
0x3e: {  	_ =	swait.ge [sflag:s13], $0x2000  }
0x3f: {  	s18 =	simm.s32 $0x200;
	[sflag:s13] =	ssyncset.done $0x0  }
.LBB2_6:
0x40: {  	s19 =	sshra.s32 s18, $0x2;
	[sflag:s13] =	ssyncadd.s32 $0xFFFFE000;
	p1 =	sne.s32 s18, $0x4E00  }
0x41: {  	[spmem:s1] =	stream.indirect.scatter.add.f32 [tilespmem:s12], [sflag:$0x1], $0x80, s19, s14, $0xb8;
	[tilespmem:$0x17000] =	vst v63  }
.Ltmp2:
0x42: {  	_ = 	snop;
	(pc) =	sbr.rel @p1 .LBB2_6-.Ltmp2, $4  }
0x43: {  	_ = 	snop  }
0x44: {  	s18 =	sadd.s32 $0x200, s18  }
0x45: {  	_ =	swait.ge [sflag:s13], $0x2000  }
0x46: {  	[sflag:s13] =	ssyncset.done $0x0  }
0x47: {  	[sflag:s13] =	ssyncadd.s32 $0xFFFFE000;
	s18 =	simm.s32 $0x0  }
0x48: {  	[tilespmem:s18], [sflag:$0x1] =	stream.linear.gather [hbm4b:s10+s18], $0x1400, $0x38;
	[tilespmem:$0x17000] =	vst v63  }
0x49: {  	_ =	swait.ge [sflag:s13], $0x1400  }
0x4a: {  	[sflag:s13] =	ssyncset.done $0x0  }
0x4b: {  	s31 =	simm.s32 $0x0;
	[sflag:s13] =	ssyncadd.s32 $0xFFFFEC00  }
0x4c: {  	[spmem:s1] =	stream.indirect.scatter.add.f32 [tilespmem:s12], [sflag:$0x1], $0x80, s31, s14, $0xb8;
	[tilespmem:$0x17000] =	vst v63  }
0x4d: {  	_ =	swait.ge [sflag:s13], $0x2000  }
0x4e: {  	s18 =	simm.s32 $0x200;
	[sflag:s13] =	ssyncset.done $0x0  }
.LBB2_8:
0x4f: {  	s19 =	sshra.s32 s18, $0x2;
	[sflag:s13] =	ssyncadd.s32 $0xFFFFE000;
	p1 =	sne.s32 s18, $0x4E00  }
0x50: {  	[spmem:s1] =	stream.indirect.scatter.add.f32 [tilespmem:s12], [sflag:$0x1], $0x80, s19, s14, $0xb8;
	[tilespmem:$0x17000] =	vst v63  }
.Ltmp3:
0x51: {  	_ = 	snop;
	(pc) =	sbr.rel @p1 .LBB2_8-.Ltmp3, $4  }
0x52: {  	_ = 	snop  }
0x53: {  	s18 =	sadd.s32 $0x200, s18  }
0x54: {  	_ =	swait.ge [sflag:s13], $0x2000  }
0x55: {  	[sflag:s13] =	ssyncset.done $0x0  }
0x56: {  	s17 =	sadd.s32 $0x1, s17  }
0x57: {  	[sflag:s13] =	ssyncadd.s32 $0xFFFFE000;
	p1 =	sne.s32 s17, s6  }
.Ltmp4:
0x58: {  	[bflag:$0x0] =	sbarrier.arrive $0xFFFF;
	(pc) =	sbr.rel @p1 .LBB2_1-.Ltmp4, $4  }
0x59: {  	[hbm:s5], [sflag:s15] =	dma.local [spmem:s16], $0x2780  }
0x5a: {  	_ =	swait.ge [sflag:s13], $0x2780  }
0x5b: {  	[sflag:s13] =	ssyncset.done $0x0  }
0x5c: {  	[sflag:s13] =	ssyncadd.s32 $0xFFFFD880  }
0x5d: {  	_ =	sfence.sel $0x180000  }
0x5e: {  	[bflag:$0x0] =	sbarrier.arrive $0xFFFF  }
0x5f: {  	_ =	strace $0x90000047  }
0x60: {  	s0 =	sadd.s32 @!p0 $0x100000, s0;
	[bflag:$0x2] =	sbarrier.arrive $0xFFFF  }
0x61: {  	[sflag:s0] =	ssyncadd.tile.s32 @!p0 $0x1;
	_ =	shalt  }
.Lfunc_end2:
_tile_overlayer_lowered:
.L_overlay_start_2:
0x62: {  	(tag) =	ssettag $0x2  }
0x63: {  	s0 =	rddreg [dreg:$0x0];
	s2 =	stileid.u32  }
0x64: {  	s1 =	rddreg [dreg:$0x1];
	p0 =	sne.s32 s2, $0x0  }
0x65: {  	s3 =	rddreg [dreg:$0x2];
	[bflag:$0x3] =	sbarrier.arrive $0xFFFF;
	s2 =	simm.s32 @!p0 $0x1C01  }
0x66: {  	[timem:s3], [sflag:s2] =	dma.local @!p0 [hbm:s0], s1  }
0x67: {  	s0 =	simm.s32 @!p0 $0x1  }
0x68: {  	_ =	swait.ge @!p0 [sflag:s0], s1  }
0x69: {  	s1 =	ssub.s32 @!p0 $0x0, s1;
	[sflag:s0] =	ssyncset.done @!p0 $0x0  }
0x6a: {  	[sflag:s0] =	ssyncadd.s32 @!p0 s1  }
0x6b: {  	[bflag:$0x3] =	sbarrier.arrive $0xFFFF  }
0x6c: {  	_ =	shalt  }

</sc_bundles>
